<compile_context>
chip_gen: v7x
topology: tpu7x:2x2x1
jax: 0.10.2.dev20260603
libtpu: 0.0.44.dev20260713+nightly
codegen_flags: <defaults>
</compile_context>

<pallas_src>
import functools

import jax
import jax.numpy as jnp
from jax import lax
from jax.experimental import pallas as pl
from jax.experimental.pallas import tpu as pltpu
from jax.experimental.pallas import tpu_sc as plsc

HID = 32
NC, NS = 2, 16
NW = NC * NS
CHUNK = 128



def _encoder_body(af_ref, w1t_ref, p1_ref, w2t_ref, p2_ref, h_ref, h16_ref):
    def layer(x, wt_ref, p_ref):
        y = jnp.dot(x, wt_ref[...], preferred_element_type=jnp.float32)
        y = y + p_ref[0:1, :]
        mu = jnp.mean(y, axis=0, keepdims=True)
        d = y - mu
        var = jnp.mean(d * d, axis=0, keepdims=True)
        y = d * (p_ref[1:2, :] * lax.rsqrt(var + 1e-5)) + p_ref[2:3, :]
        return jnp.maximum(y, 0.0)

    h = layer(af_ref[...], w1t_ref, p1_ref)
    h = layer(h, w2t_ref, p2_ref)
    h_ref[...] = h
    h16_ref[...] = h.astype(jnp.bfloat16)


def _encoder(af, w1t, p1, w2t, p2):
    n = af.shape[0]
    return pl.pallas_call(
        _encoder_body,
        out_shape=(jax.ShapeDtypeStruct((n, HID), jnp.float32),
                   jax.ShapeDtypeStruct((n, HID), jnp.bfloat16)),
    )(af, w1t, p1, w2t, p2)



GDEPTH = 8


def _gather(h16, src3, e_pad, nch):
    mesh = plsc.VectorSubcoreMesh(core_axis_name="c", subcore_axis_name="s")

    @functools.partial(
        pl.kernel,
        mesh=mesh,
        out_type=jax.ShapeDtypeStruct((e_pad, HID), jnp.bfloat16),
        compiler_params=pltpu.CompilerParams(use_tc_tiling_on_sc=False),
        scratch_types=[
            pltpu.VMEM((nch, CHUNK), jnp.int32),
            pltpu.VMEM((GDEPTH * CHUNK, HID), jnp.bfloat16),
        ] + [pltpu.SemaphoreType.DMA] * GDEPTH,
    )
    def k(h_hbm, src_hbm, out_hbm, idx_v, rows_v, *sems):
        wid = lax.axis_index("c") * NS + lax.axis_index("s")
        pltpu.sync_copy(src_hbm.at[wid], idx_v)

        def body(g, carry):
            copies = []
            for b in range(GDEPTH):
                cj = g * GDEPTH + b
                copies.append(pltpu.async_copy(
                    h_hbm.at[idx_v.at[cj]],
                    rows_v.at[pl.ds(b * CHUNK, CHUNK)], sems[b]))
            for cp in copies:
                cp.wait()
            off = (wid * nch + g * GDEPTH) * CHUNK
            pltpu.sync_copy(rows_v, out_hbm.at[pl.ds(off, GDEPTH * CHUNK)])
            return carry

        lax.fori_loop(0, nch // GDEPTH, body, 0)

    return k(h16, src3)



def _msg_body(hs_ref, bf_ref, ewt_ref, eb_ref, rep_ref, out_ref):
    wb = jnp.dot(bf_ref[...], ewt_ref[...],
                 preferred_element_type=jnp.float32)
    wb = (wb + eb_ref[...]).astype(jnp.bfloat16).astype(jnp.float32)
    hrep = jnp.dot(hs_ref[...].astype(jnp.bfloat16), rep_ref[...],
                   preferred_element_type=jnp.float32)
    x = hrep * wb
    t = x[:, 0:128]
    for k in range(1, 8):
        t = t + x[:, k * 128:(k + 1) * 128]
    out_ref[...] = (t[:, 0:32] + t[:, 32:64]) + (t[:, 64:96] + t[:, 96:128])


def _msg(h_src, bf_p, ewt, eb, rep, e_pad):
    blk = 4096
    grid = e_pad // blk
    return pl.pallas_call(
        _msg_body,
        grid=(grid,),
        in_specs=[
            pl.BlockSpec((blk, HID), lambda i: (i, 0)),
            pl.BlockSpec((blk, 16), lambda i: (i, 0)),
            pl.BlockSpec((16, HID * HID), lambda i: (0, 0)),
            pl.BlockSpec((1, HID * HID), lambda i: (0, 0)),
            pl.BlockSpec((HID, HID * HID), lambda i: (0, 0)),
        ],
        out_specs=pl.BlockSpec((blk, HID), lambda i: (i, 0)),
        out_shape=jax.ShapeDtypeStruct((e_pad, HID), jnp.float32),
    )(h_src, bf_p, ewt, eb, rep)



def _scatter(msg, dst3, zeros, n_pad, nch):
    mesh = plsc.VectorSubcoreMesh(core_axis_name="c", subcore_axis_name="s")
    rps = n_pad // NS

    @functools.partial(
        pl.kernel,
        mesh=mesh,
        out_type=jax.ShapeDtypeStruct((NC, n_pad, HID), jnp.float32),
        compiler_params=pltpu.CompilerParams(use_tc_tiling_on_sc=False),
        scratch_types=[
            pltpu.VMEM((nch, CHUNK), jnp.int32),
            pltpu.VMEM((GDEPTH * CHUNK, HID), jnp.float32),
            pltpu.VMEM_SHARED((n_pad, HID), jnp.float32),
        ],
    )
    def k(msg_hbm, dst_hbm, z_hbm, out_hbm, idx_v, msg_v, agg_sh):
        c = lax.axis_index("c")
        s = lax.axis_index("s")
        wid = c * NS + s
        pltpu.sync_copy(z_hbm.at[pl.ds(s * rps, rps)],
                        agg_sh.at[pl.ds(s * rps, rps)])
        pltpu.sync_copy(dst_hbm.at[wid], idx_v)
        plsc.subcore_barrier()

        def body(g, carry):
            off = (wid * nch + g * GDEPTH) * CHUNK
            pltpu.sync_copy(msg_hbm.at[pl.ds(off, GDEPTH * CHUNK)], msg_v)
            for b in range(GDEPTH):
                pltpu.sync_copy(msg_v.at[pl.ds(b * CHUNK, CHUNK)],
                                agg_sh.at[idx_v.at[g * GDEPTH + b]], add=True)
            return carry

        lax.fori_loop(0, nch // GDEPTH, body, 0)
        plsc.subcore_barrier()
        pltpu.sync_copy(agg_sh.at[pl.ds(s * rps, rps)],
                        out_hbm.at[c, pl.ds(s * rps, rps)])

    return k(msg, dst3, zeros)



def _gru_body(h_ref, aggp_ref, wt_ref, bias_ref, out_ref):
    h = h_ref[...]
    agg = aggp_ref[0] + aggp_ref[1]

    def mm(x, i):
        return (jnp.dot(x, wt_ref[i], preferred_element_type=jnp.float32)
                + bias_ref[i:i + 1, :])

    r = jax.nn.sigmoid(mm(agg, 0) + mm(h, 3))
    z = jax.nn.sigmoid(mm(agg, 1) + mm(h, 4))
    nn = jnp.tanh(mm(agg, 2) + r * mm(h, 5))
    out_ref[...] = (1.0 - z) * nn + z * h


def _gru(h, aggp, wt, bias):
    n = h.shape[0]
    blk = 1000
    return pl.pallas_call(
        _gru_body,
        grid=(n // blk,),
        in_specs=[
            pl.BlockSpec((blk, HID), lambda i: (i, 0)),
            pl.BlockSpec((NC, blk, HID), lambda i: (0, i, 0)),
            pl.BlockSpec((6, HID, HID), lambda i: (0, 0, 0)),
            pl.BlockSpec((6, HID), lambda i: (0, 0)),
        ],
        out_specs=pl.BlockSpec((blk, HID), lambda i: (i, 0)),
        out_shape=jax.ShapeDtypeStruct((n, HID), jnp.float32),
    )(h, aggp, wt, bias)



def kernel(af, bf, edge_index, enc1_w, enc1_b, bn1_g, bn1_b, enc2_w, enc2_b,
           bn2_g, bn2_b, ef_w, ef_b, gru_wi, gru_wh, gru_bi, gru_bh):
    n = af.shape[0]
    e = bf.shape[0]
    bond = bf.shape[1]

    nch = -(-e // (NW * CHUNK))
    nch = -(-nch // GDEPTH) * GDEPTH
    e_pad = NW * nch * CHUNK
    n_pad = -(-(n + 1) // NS) * NS
    dump = n_pad - 1

    p1 = jnp.stack([enc1_b, bn1_g, bn1_b])
    p2 = jnp.stack([enc2_b, bn2_g, bn2_b])
    h, h16 = _encoder(af, enc1_w.T, p1, enc2_w.T, p2)

    src = edge_index[0].astype(jnp.int32)
    dst = edge_index[1].astype(jnp.int32)
    src3 = jnp.pad(src, (0, e_pad - e)).reshape(NW, nch, CHUNK)
    dst3 = jnp.pad(dst, (0, e_pad - e),
                   constant_values=dump).reshape(NW, nch, CHUNK)
    bf_p = jnp.pad(bf, ((0, e_pad - e), (0, 0))).astype(jnp.bfloat16)

    h_src = _gather(h16, src3, e_pad, nch)

    ewt = ef_w.T.astype(jnp.bfloat16)
    eb = ef_b.reshape(1, HID * HID)
    eye = jnp.eye(HID, dtype=jnp.float32)
    rep = jnp.kron(eye, jnp.ones((1, HID), jnp.float32)).astype(jnp.bfloat16)
    msg = _msg(h_src, bf_p, ewt, eb, rep, e_pad)

    zeros = jnp.zeros((n_pad, HID), jnp.float32)
    aggp = _scatter(msg, dst3, zeros, n_pad, nch)

    wt = jnp.stack([
        gru_wi[:HID].T, gru_wi[HID:2 * HID].T, gru_wi[2 * HID:].T,
        gru_wh[:HID].T, gru_wh[HID:2 * HID].T, gru_wh[2 * HID:].T,
    ])
    bias = jnp.stack([
        gru_bi[:HID], gru_bi[HID:2 * HID], gru_bi[2 * HID:],
        gru_bh[:HID], gru_bh[HID:2 * HID], gru_bh[2 * HID:],
    ])
    return _gru(h, aggp, wt, bias)

# --- scband reference (transcript-rebuilt; emitter-appended) ---
"""Pipeline reference for scband-mymodel-45337674776668 (READ-ONLY COPY).

The authoritative reference and input builder live on the scoring server;
editing this copy changes nothing except your own understanding.
"""

import jax, jax.numpy as jnp
import numpy as np

HID = 32
N_NODES = 10000
N_EDGES = 160000
ATOM_IN = 128
BOND_IN = 16


def _linear_bn_relu(x, w, b, g, beta):
    # LinearBn: Linear -> BatchNorm1d (training-mode batch stats) -> ReLU
    y = x @ w.T + b
    mu = y.mean(axis=0)
    var = y.var(axis=0)
    y = (y - mu) / jnp.sqrt(var + 1e-5) * g + beta
    return jax.nn.relu(y)


def setup_inputs(seed: int = 0) -> dict:
    key = jax.random.key(seed)
    ks = jax.random.split(key, 20)
    inp = {}
    inp['af'] = jax.random.normal(ks[0], (N_NODES, ATOM_IN), dtype=jnp.float32)
    inp['bf'] = jax.random.normal(ks[1], (N_EDGES, BOND_IN), dtype=jnp.float32)
    inp['edge_index'] = jax.random.randint(ks[2], (2, N_EDGES), 0, N_NODES)
    # atom_encoder params: LinearBn(128->32) + LinearBn(32->32)
    inp['enc1_w'] = jax.random.normal(ks[3], (HID, ATOM_IN), dtype=jnp.float32) / np.sqrt(ATOM_IN)
    inp['enc1_b'] = jnp.zeros((HID,), jnp.float32)
    inp['bn1_g'] = jnp.ones((HID,), jnp.float32)
    inp['bn1_b'] = jnp.zeros((HID,), jnp.float32)
    inp['enc2_w'] = jax.random.normal(ks[4], (HID, HID), dtype=jnp.float32) / np.sqrt(HID)
    inp['enc2_b'] = jnp.zeros((HID,), jnp.float32)
    inp['bn2_g'] = jnp.ones((HID,), jnp.float32)
    inp['bn2_b'] = jnp.zeros((HID,), jnp.float32)
    # NNConv edge network: Linear(bond_in_dim -> hid*hid)
    inp['ef_w'] = jax.random.normal(ks[5], (HID * HID, BOND_IN), dtype=jnp.float32) / np.sqrt(BOND_IN)
    inp['ef_b'] = jnp.zeros((HID * HID,), jnp.float32)
    # GRUCell(hid, hid)
    inp['gru_wi'] = jax.random.normal(ks[6], (3 * HID, HID), dtype=jnp.float32) / np.sqrt(HID)
    inp['gru_wh'] = jax.random.normal(ks[7], (3 * HID, HID), dtype=jnp.float32) / np.sqrt(HID)
    inp['gru_bi'] = jnp.zeros((3 * HID,), jnp.float32)
    inp['gru_bh'] = jnp.zeros((3 * HID,), jnp.float32)
    return inp


def reference(af, bf, edge_index, enc1_w, enc1_b, bn1_g, bn1_b, enc2_w, enc2_b, bn2_g, bn2_b, ef_w, ef_b, gru_wi, gru_wh, gru_bi, gru_bh):
    # atom_encoder (dropout inactive / p applied as identity in eval)
    h = _linear_bn_relu(af, enc1_w, enc1_b, bn1_g, bn1_b)
    h = _linear_bn_relu(h, enc2_w, enc2_b, bn2_g, bn2_b)
    src = edge_index[0]
    dst = edge_index[1]
    # DGL_MPNNLayer / NNConv('sum'): per-edge weight matrix from edge network
    W = (bf @ ef_w.T + ef_b).reshape(-1, HID, HID)  # [E, hid, hid]
    msg = jnp.einsum('ei,eio->eo', h[src], W)        # gather + per-edge matvec
    agg = jax.ops.segment_sum(msg, dst, num_segments=h.shape[0])  # scatter-add
    # atom_update GRUCell(input=agg, hidden=h)
    gi = agg @ gru_wi.T + gru_bi
    gh = h @ gru_wh.T + gru_bh
    i_r, i_z, i_n = jnp.split(gi, 3, axis=1)
    h_r, h_z, h_n = jnp.split(gh, 3, axis=1)
    r = jax.nn.sigmoid(i_r + h_r)
    z = jax.nn.sigmoid(i_z + h_z)
    n = jnp.tanh(i_n + r * h_n)
    h_new = (1.0 - z) * n + z * h
    return h_new

if __name__ == "__main__":
    import jax
    _d = setup_inputs()
    print(jax.jit(kernel)(*tuple(_d.values())))

</pallas_src>

<mosaic_0001>
#map = affine_map<(d0, d1) -> (0, 0)>
#map1 = affine_map<(d0, d1) -> (0, 0, 0)>
module attributes {stable_mosaic.version = 14 : i64} {
  func.func @k(%arg0: i32, %arg1: i32, %arg2: memref<10000x32xbf16, #tpu.memory_space<hbm>>, %arg3: memref<32x40x128xi32, #tpu.memory_space<hbm>>, %arg4: memref<163840x32xbf16, #tpu.memory_space<hbm>>, %arg5: memref<40x128xi32, #tpu.memory_space<vmem>>, %arg6: memref<1024x32xbf16, #tpu.memory_space<vmem>>, %arg7: memref<!tpu.dma_semaphore, #tpu.memory_space<semaphore_mem>>, %arg8: memref<!tpu.dma_semaphore, #tpu.memory_space<semaphore_mem>>, %arg9: memref<!tpu.dma_semaphore, #tpu.memory_space<semaphore_mem>>, %arg10: memref<!tpu.dma_semaphore, #tpu.memory_space<semaphore_mem>>, %arg11: memref<!tpu.dma_semaphore, #tpu.memory_space<semaphore_mem>>, %arg12: memref<!tpu.dma_semaphore, #tpu.memory_space<semaphore_mem>>, %arg13: memref<!tpu.dma_semaphore, #tpu.memory_space<semaphore_mem>>, %arg14: memref<!tpu.dma_semaphore, #tpu.memory_space<semaphore_mem>>) attributes {dimension_semantics = [#tpu.dimension_semantics<core_parallel>, #tpu.dimension_semantics<subcore_parallel>], iteration_bounds = array<i64: 2, 16>, scalar_prefetch = 0 : i64, scratch_operands = 10 : i64, tpu.core_type = #tpu.core_type<sc_vector_subcore>, window_params = [{transform_indices = #map}, {transform_indices = #map1}, {transform_indices = #map}]} {
    %mul3A = arith.constant 16 : i32
    %mul3A_0 = arith.muli %arg0, %mul3A : i32
    %add3A = arith.addi %mul3A_0, %arg1 : i32
    "tpu.region"() ({
      %run_scoped3A = tpu.sem_alloc : memref<!tpu.dma_semaphore, #tpu.memory_space<semaphore_mem>>
      %dma_start3A = arith.constant 0 : i32
      %dma_start3A_6 = arith.constant 0 : i32
      %dma_start3A_7 = tpu.memref_slice %arg3[%add3A, %dma_start3A, %dma_start3A_6] : memref<32x40x128xi32, #tpu.memory_space<hbm>> -> memref<1x40x128xi32, #tpu.memory_space<hbm>>
      %dma_start3A_8 = tpu.memref_squeeze %dma_start3A_7 : memref<1x40x128xi32, #tpu.memory_space<hbm>> -> memref<40x128xi32, #tpu.memory_space<hbm>>
      %dma_start3A_9 = arith.constant 0 : i32
      %dma_start3A_10 = arith.constant 0 : i32
      %dma_start3A_11 = tpu.memref_slice %arg3[%add3A, %dma_start3A_9, %dma_start3A_10] : memref<32x40x128xi32, #tpu.memory_space<hbm>> -> memref<1x40x128xi32, #tpu.memory_space<hbm>>
      %dma_start3A_12 = tpu.memref_squeeze %dma_start3A_11 : memref<1x40x128xi32, #tpu.memory_space<hbm>> -> memref<40x128xi32, #tpu.memory_space<hbm>>
      tpu.enqueue_dma source(%dma_start3A_12 : memref<40x128xi32, #tpu.memory_space<hbm>>) target(%arg5 : memref<40x128xi32, #tpu.memory_space<vmem>>) target_semaphore(%run_scoped3A : memref<!tpu.dma_semaphore, #tpu.memory_space<semaphore_mem>>)
      %dma_wait3A = arith.constant 0 : i32
      %dma_wait3A_13 = arith.constant 0 : i32
      %dma_wait3A_14 = tpu.memref_slice %arg3[%add3A, %dma_wait3A, %dma_wait3A_13] : memref<32x40x128xi32, #tpu.memory_space<hbm>> -> memref<1x40x128xi32, #tpu.memory_space<hbm>>
      %dma_wait3A_15 = tpu.memref_squeeze %dma_wait3A_14 : memref<1x40x128xi32, #tpu.memory_space<hbm>> -> memref<40x128xi32, #tpu.memory_space<hbm>>
      %dma_wait3A_16 = arith.constant 0 : i32
      %dma_wait3A_17 = arith.constant 0 : i32
      %dma_wait3A_18 = tpu.memref_slice %arg3[%add3A, %dma_wait3A_16, %dma_wait3A_17] : memref<32x40x128xi32, #tpu.memory_space<hbm>> -> memref<1x40x128xi32, #tpu.memory_space<hbm>>
      %dma_wait3A_19 = tpu.memref_squeeze %dma_wait3A_18 : memref<1x40x128xi32, #tpu.memory_space<hbm>> -> memref<40x128xi32, #tpu.memory_space<hbm>>
      tpu.wait_dma2 semaphore(%run_scoped3A : memref<!tpu.dma_semaphore, #tpu.memory_space<semaphore_mem>>) src(%dma_wait3A_19 : memref<40x128xi32, #tpu.memory_space<hbm>>) dst(%arg5 : memref<40x128xi32, #tpu.memory_space<vmem>>)
      tpu.yield
    }) : () -> ()
    %scan3A = arith.constant 0 : i32
    %scan3A_1 = arith.constant 0 : i32
    %scan3A_2 = arith.constant 5 : i32
    %scan3A_3 = arith.addi %scan3A_1, %scan3A_2 : i32
    %scan3A_4 = arith.constant 1 : i32
    scf.for %scan3A_6 = %scan3A_1 to %scan3A_3 step %scan3A_4  : i32 {
      %mul3A_7 = arith.constant 8 : i32
      %mul3A_8 = arith.muli %scan3A_6, %mul3A_7 : i32
      %add3A_9 = arith.constant 0 : i32
      %add3A_10 = arith.addi %mul3A_8, %add3A_9 : i32
      %dma_start3A = arith.constant 0 : i32
      %dma_start3A_11 = arith.constant 0 : i32
      %dma_start3A_12 = tpu.memref_slice %arg6[%dma_start3A, %dma_start3A_11] : memref<1024x32xbf16, #tpu.memory_space<vmem>> -> memref<128x32xbf16, #tpu.memory_space<vmem>>
      %dma_start3A_13 = arith.constant 0 : i32
      %dma_start3A_14 = tpu.memref_slice %arg5[%add3A_10, %dma_start3A_13] : memref<40x128xi32, #tpu.memory_space<vmem>> -> memref<1x128xi32, #tpu.memory_space<vmem>>
      %dma_start3A_15 = tpu.memref_squeeze %dma_start3A_14 : memref<1x128xi32, #tpu.memory_space<vmem>> -> memref<128xi32, #tpu.memory_space<vmem>>
      %dma_start3A_16 = arith.constant 0 : i32
      %dma_start3A_17 = arith.constant 0 : i32
      %dma_start3A_18 = tpu.memref_slice %arg2[%dma_start3A_16, %dma_start3A_17] : memref<10000x32xbf16, #tpu.memory_space<hbm>> -> memref<10000x32xbf16, #tpu.memory_space<hbm>>
      tpu.enqueue_indirect_dma source(%dma_start3A_18 : memref<10000x32xbf16, #tpu.memory_space<hbm>>) target(%dma_start3A_12 : memref<128x32xbf16, #tpu.memory_space<vmem>>) offsets(%dma_start3A_15 : memref<128xi32, #tpu.memory_space<vmem>>) semaphore(%arg7 : memref<!tpu.dma_semaphore, #tpu.memory_space<semaphore_mem>>)
      %mul3A_19 = arith.constant 8 : i32
      %mul3A_20 = arith.muli %scan3A_6, %mul3A_19 : i32
      %add3A_21 = arith.constant 1 : i32
      %add3A_22 = arith.addi %mul3A_20, %add3A_21 : i32
      %dma_start3A_23 = arith.constant 128 : i32
      %dma_start3A_24 = arith.constant 0 : i32
      %dma_start3A_25 = tpu.memref_slice %arg6[%dma_start3A_23, %dma_start3A_24] : memref<1024x32xbf16, #tpu.memory_space<vmem>> -> memref<128x32xbf16, #tpu.memory_space<vmem>>
      %dma_start3A_26 = arith.constant 0 : i32
      %dma_start3A_27 = tpu.memref_slice %arg5[%add3A_22, %dma_start3A_26] : memref<40x128xi32, #tpu.memory_space<vmem>> -> memref<1x128xi32, #tpu.memory_space<vmem>>
      %dma_start3A_28 = tpu.memref_squeeze %dma_start3A_27 : memref<1x128xi32, #tpu.memory_space<vmem>> -> memref<128xi32, #tpu.memory_space<vmem>>
      %dma_start3A_29 = arith.constant 0 : i32
      %dma_start3A_30 = arith.constant 0 : i32
      %dma_start3A_31 = tpu.memref_slice %arg2[%dma_start3A_29, %dma_start3A_30] : memref<10000x32xbf16, #tpu.memory_space<hbm>> -> memref<10000x32xbf16, #tpu.memory_space<hbm>>
      tpu.enqueue_indirect_dma source(%dma_start3A_31 : memref<10000x32xbf16, #tpu.memory_space<hbm>>) target(%dma_start3A_25 : memref<128x32xbf16, #tpu.memory_space<vmem>>) offsets(%dma_start3A_28 : memref<128xi32, #tpu.memory_space<vmem>>) semaphore(%arg8 : memref<!tpu.dma_semaphore, #tpu.memory_space<semaphore_mem>>)
      %mul3A_32 = arith.constant 8 : i32
      %mul3A_33 = arith.muli %scan3A_6, %mul3A_32 : i32
      %add3A_34 = arith.constant 2 : i32
      %add3A_35 = arith.addi %mul3A_33, %add3A_34 : i32
      %dma_start3A_36 = arith.constant 256 : i32
      %dma_start3A_37 = arith.constant 0 : i32
      %dma_start3A_38 = tpu.memref_slice %arg6[%dma_start3A_36, %dma_start3A_37] : memref<1024x32xbf16, #tpu.memory_space<vmem>> -> memref<128x32xbf16, #tpu.memory_space<vmem>>
      %dma_start3A_39 = arith.constant 0 : i32
      %dma_start3A_40 = tpu.memref_slice %arg5[%add3A_35, %dma_start3A_39] : memref<40x128xi32, #tpu.memory_space<vmem>> -> memref<1x128xi32, #tpu.memory_space<vmem>>
      %dma_start3A_41 = tpu.memref_squeeze %dma_start3A_40 : memref<1x128xi32, #tpu.memory_space<vmem>> -> memref<128xi32, #tpu.memory_space<vmem>>
      %dma_start3A_42 = arith.constant 0 : i32
      %dma_start3A_43 = arith.constant 0 : i32
      %dma_start3A_44 = tpu.memref_slice %arg2[%dma_start3A_42, %dma_start3A_43] : memref<10000x32xbf16, #tpu.memory_space<hbm>> -> memref<10000x32xbf16, #tpu.memory_space<hbm>>
      tpu.enqueue_indirect_dma source(%dma_start3A_44 : memref<10000x32xbf16, #tpu.memory_space<hbm>>) target(%dma_start3A_38 : memref<128x32xbf16, #tpu.memory_space<vmem>>) offsets(%dma_start3A_41 : memref<128xi32, #tpu.memory_space<vmem>>) semaphore(%arg9 : memref<!tpu.dma_semaphore, #tpu.memory_space<semaphore_mem>>)
      %mul3A_45 = arith.constant 8 : i32
      %mul3A_46 = arith.muli %scan3A_6, %mul3A_45 : i32
      %add3A_47 = arith.constant 3 : i32
      %add3A_48 = arith.addi %mul3A_46, %add3A_47 : i32
      %dma_start3A_49 = arith.constant 384 : i32
      %dma_start3A_50 = arith.constant 0 : i32
      %dma_start3A_51 = tpu.memref_slice %arg6[%dma_start3A_49, %dma_start3A_50] : memref<1024x32xbf16, #tpu.memory_space<vmem>> -> memref<128x32xbf16, #tpu.memory_space<vmem>>
      %dma_start3A_52 = arith.constant 0 : i32
      %dma_start3A_53 = tpu.memref_slice %arg5[%add3A_48, %dma_start3A_52] : memref<40x128xi32, #tpu.memory_space<vmem>> -> memref<1x128xi32, #tpu.memory_space<vmem>>
      %dma_start3A_54 = tpu.memref_squeeze %dma_start3A_53 : memref<1x128xi32, #tpu.memory_space<vmem>> -> memref<128xi32, #tpu.memory_space<vmem>>
      %dma_start3A_55 = arith.constant 0 : i32
      %dma_start3A_56 = arith.constant 0 : i32
      %dma_start3A_57 = tpu.memref_slice %arg2[%dma_start3A_55, %dma_start3A_56] : memref<10000x32xbf16, #tpu.memory_space<hbm>> -> memref<10000x32xbf16, #tpu.memory_space<hbm>>
      tpu.enqueue_indirect_dma source(%dma_start3A_57 : memref<10000x32xbf16, #tpu.memory_space<hbm>>) target(%dma_start3A_51 : memref<128x32xbf16, #tpu.memory_space<vmem>>) offsets(%dma_start3A_54 : memref<128xi32, #tpu.memory_space<vmem>>) semaphore(%arg10 : memref<!tpu.dma_semaphore, #tpu.memory_space<semaphore_mem>>)
      %mul3A_58 = arith.constant 8 : i32
      %mul3A_59 = arith.muli %scan3A_6, %mul3A_58 : i32
      %add3A_60 = arith.constant 4 : i32
      %add3A_61 = arith.addi %mul3A_59, %add3A_60 : i32
      %dma_start3A_62 = arith.constant 512 : i32
      %dma_start3A_63 = arith.constant 0 : i32
      %dma_start3A_64 = tpu.memref_slice %arg6[%dma_start3A_62, %dma_start3A_63] : memref<1024x32xbf16, #tpu.memory_space<vmem>> -> memref<128x32xbf16, #tpu.memory_space<vmem>>
      %dma_start3A_65 = arith.constant 0 : i32
      %dma_start3A_66 = tpu.memref_slice %arg5[%add3A_61, %dma_start3A_65] : memref<40x128xi32, #tpu.memory_space<vmem>> -> memref<1x128xi32, #tpu.memory_space<vmem>>
      %dma_start3A_67 = tpu.memref_squeeze %dma_start3A_66 : memref<1x128xi32, #tpu.memory_space<vmem>> -> memref<128xi32, #tpu.memory_space<vmem>>
      %dma_start3A_68 = arith.constant 0 : i32
      %dma_start3A_69 = arith.constant 0 : i32
      %dma_start3A_70 = tpu.memref_slice %arg2[%dma_start3A_68, %dma_start3A_69] : memref<10000x32xbf16, #tpu.memory_space<hbm>> -> memref<10000x32xbf16, #tpu.memory_space<hbm>>
      tpu.enqueue_indirect_dma source(%dma_start3A_70 : memref<10000x32xbf16, #tpu.memory_space<hbm>>) target(%dma_start3A_64 : memref<128x32xbf16, #tpu.memory_space<vmem>>) offsets(%dma_start3A_67 : memref<128xi32, #tpu.memory_space<vmem>>) semaphore(%arg11 : memref<!tpu.dma_semaphore, #tpu.memory_space<semaphore_mem>>)
      %mul3A_71 = arith.constant 8 : i32
      %mul3A_72 = arith.muli %scan3A_6, %mul3A_71 : i32
      %add3A_73 = arith.constant 5 : i32
      %add3A_74 = arith.addi %mul3A_72, %add3A_73 : i32
      %dma_start3A_75 = arith.constant 640 : i32
      %dma_start3A_76 = arith.constant 0 : i32
      %dma_start3A_77 = tpu.memref_slice %arg6[%dma_start3A_75, %dma_start3A_76] : memref<1024x32xbf16, #tpu.memory_space<vmem>> -> memref<128x32xbf16, #tpu.memory_space<vmem>>
      %dma_start3A_78 = arith.constant 0 : i32
      %dma_start3A_79 = tpu.memref_slice %arg5[%add3A_74, %dma_start3A_78] : memref<40x128xi32, #tpu.memory_space<vmem>> -> memref<1x128xi32, #tpu.memory_space<vmem>>
      %dma_start3A_80 = tpu.memref_squeeze %dma_start3A_79 : memref<1x128xi32, #tpu.memory_space<vmem>> -> memref<128xi32, #tpu.memory_space<vmem>>
      %dma_start3A_81 = arith.constant 0 : i32
      %dma_start3A_82 = arith.constant 0 : i32
      %dma_start3A_83 = tpu.memref_slice %arg2[%dma_start3A_81, %dma_start3A_82] : memref<10000x32xbf16, #tpu.memory_space<hbm>> -> memref<10000x32xbf16, #tpu.memory_space<hbm>>
      tpu.enqueue_indirect_dma source(%dma_start3A_83 : memref<10000x32xbf16, #tpu.memory_space<hbm>>) target(%dma_start3A_77 : memref<128x32xbf16, #tpu.memory_space<vmem>>) offsets(%dma_start3A_80 : memref<128xi32, #tpu.memory_space<vmem>>) semaphore(%arg12 : memref<!tpu.dma_semaphore, #tpu.memory_space<semaphore_mem>>)
      %mul3A_84 = arith.constant 8 : i32
      %mul3A_85 = arith.muli %scan3A_6, %mul3A_84 : i32
      %add3A_86 = arith.constant 6 : i32
      %add3A_87 = arith.addi %mul3A_85, %add3A_86 : i32
      %dma_start3A_88 = arith.constant 768 : i32
      %dma_start3A_89 = arith.constant 0 : i32
      %dma_start3A_90 = tpu.memref_slice %arg6[%dma_start3A_88, %dma_start3A_89] : memref<1024x32xbf16, #tpu.memory_space<vmem>> -> memref<128x32xbf16, #tpu.memory_space<vmem>>
      %dma_start3A_91 = arith.constant 0 : i32
      %dma_start3A_92 = tpu.memref_slice %arg5[%add3A_87, %dma_start3A_91] : memref<40x128xi32, #tpu.memory_space<vmem>> -> memref<1x128xi32, #tpu.memory_space<vmem>>
      %dma_start3A_93 = tpu.memref_squeeze %dma_start3A_92 : memref<1x128xi32, #tpu.memory_space<vmem>> -> memref<128xi32, #tpu.memory_space<vmem>>
      %dma_start3A_94 = arith.constant 0 : i32
      %dma_start3A_95 = arith.constant 0 : i32
      %dma_start3A_96 = tpu.memref_slice %arg2[%dma_start3A_94, %dma_start3A_95] : memref<10000x32xbf16, #tpu.memory_space<hbm>> -> memref<10000x32xbf16, #tpu.memory_space<hbm>>
      tpu.enqueue_indirect_dma source(%dma_start3A_96 : memref<10000x32xbf16, #tpu.memory_space<hbm>>) target(%dma_start3A_90 : memref<128x32xbf16, #tpu.memory_space<vmem>>) offsets(%dma_start3A_93 : memref<128xi32, #tpu.memory_space<vmem>>) semaphore(%arg13 : memref<!tpu.dma_semaphore, #tpu.memory_space<semaphore_mem>>)
      %mul3A_97 = arith.constant 8 : i32
      %mul3A_98 = arith.muli %scan3A_6, %mul3A_97 : i32
      %add3A_99 = arith.constant 7 : i32
      %add3A_100 = arith.addi %mul3A_98, %add3A_99 : i32
      %dma_start3A_101 = arith.constant 896 : i32
      %dma_start3A_102 = arith.constant 0 : i32
      %dma_start3A_103 = tpu.memref_slice %arg6[%dma_start3A_101, %dma_start3A_102] : memref<1024x32xbf16, #tpu.memory_space<vmem>> -> memref<128x32xbf16, #tpu.memory_space<vmem>>
      %dma_start3A_104 = arith.constant 0 : i32
      %dma_start3A_105 = tpu.memref_slice %arg5[%add3A_100, %dma_start3A_104] : memref<40x128xi32, #tpu.memory_space<vmem>> -> memref<1x128xi32, #tpu.memory_space<vmem>>
      %dma_start3A_106 = tpu.memref_squeeze %dma_start3A_105 : memref<1x128xi32, #tpu.memory_space<vmem>> -> memref<128xi32, #tpu.memory_space<vmem>>
      %dma_start3A_107 = arith.constant 0 : i32
      %dma_start3A_108 = arith.constant 0 : i32
      %dma_start3A_109 = tpu.memref_slice %arg2[%dma_start3A_107, %dma_start3A_108] : memref<10000x32xbf16, #tpu.memory_space<hbm>> -> memref<10000x32xbf16, #tpu.memory_space<hbm>>
      tpu.enqueue_indirect_dma source(%dma_start3A_109 : memref<10000x32xbf16, #tpu.memory_space<hbm>>) target(%dma_start3A_103 : memref<128x32xbf16, #tpu.memory_space<vmem>>) offsets(%dma_start3A_106 : memref<128xi32, #tpu.memory_space<vmem>>) semaphore(%arg14 : memref<!tpu.dma_semaphore, #tpu.memory_space<semaphore_mem>>)
      %dma_wait3A = arith.constant 0 : i32
      %dma_wait3A_110 = arith.constant 0 : i32
      %dma_wait3A_111 = tpu.memref_slice %arg6[%dma_wait3A, %dma_wait3A_110] : memref<1024x32xbf16, #tpu.memory_space<vmem>> -> memref<128x32xbf16, #tpu.memory_space<vmem>>
      %dma_wait3A_112 = arith.constant 0 : i32
      %dma_wait3A_113 = tpu.memref_slice %arg5[%add3A_10, %dma_wait3A_112] : memref<40x128xi32, #tpu.memory_space<vmem>> -> memref<1x128xi32, #tpu.memory_space<vmem>>
      %dma_wait3A_114 = tpu.memref_squeeze %dma_wait3A_113 : memref<1x128xi32, #tpu.memory_space<vmem>> -> memref<128xi32, #tpu.memory_space<vmem>>
      %dma_wait3A_115 = arith.constant 0 : i32
      %dma_wait3A_116 = arith.constant 0 : i32
      %dma_wait3A_117 = tpu.memref_slice %arg2[%dma_wait3A_115, %dma_wait3A_116] : memref<10000x32xbf16, #tpu.memory_space<hbm>> -> memref<10000x32xbf16, #tpu.memory_space<hbm>>
      tpu.wait_indirect_dma semaphore(%arg7 : memref<!tpu.dma_semaphore, #tpu.memory_space<semaphore_mem>>) src(%dma_wait3A_117 : memref<10000x32xbf16, #tpu.memory_space<hbm>>) dst(%dma_wait3A_111 : memref<128x32xbf16, #tpu.memory_space<vmem>>)
      %dma_wait3A_118 = arith.constant 128 : i32
      %dma_wait3A_119 = arith.constant 0 : i32
      %dma_wait3A_120 = tpu.memref_slice %arg6[%dma_wait3A_118, %dma_wait3A_119] : memref<1024x32xbf16, #tpu.memory_space<vmem>> -> memref<128x32xbf16, #tpu.memory_space<vmem>>
      %dma_wait3A_121 = arith.constant 0 : i32
      %dma_wait3A_122 = tpu.memref_slice %arg5[%add3A_22, %dma_wait3A_121] : memref<40x128xi32, #tpu.memory_space<vmem>> -> memref<1x128xi32, #tpu.memory_space<vmem>>
      %dma_wait3A_123 = tpu.memref_squeeze %dma_wait3A_122 : memref<1x128xi32, #tpu.memory_space<vmem>> -> memref<128xi32, #tpu.memory_space<vmem>>
      %dma_wait3A_124 = arith.constant 0 : i32
      %dma_wait3A_125 = arith.constant 0 : i32
      %dma_wait3A_126 = tpu.memref_slice %arg2[%dma_wait3A_124, %dma_wait3A_125] : memref<10000x32xbf16, #tpu.memory_space<hbm>> -> memref<10000x32xbf16, #tpu.memory_space<hbm>>
      tpu.wait_indirect_dma semaphore(%arg8 : memref<!tpu.dma_semaphore, #tpu.memory_space<semaphore_mem>>) src(%dma_wait3A_126 : memref<10000x32xbf16, #tpu.memory_space<hbm>>) dst(%dma_wait3A_120 : memref<128x32xbf16, #tpu.memory_space<vmem>>)
      %dma_wait3A_127 = arith.constant 256 : i32
      %dma_wait3A_128 = arith.constant 0 : i32
      %dma_wait3A_129 = tpu.memref_slice %arg6[%dma_wait3A_127, %dma_wait3A_128] : memref<1024x32xbf16, #tpu.memory_space<vmem>> -> memref<128x32xbf16, #tpu.memory_space<vmem>>
      %dma_wait3A_130 = arith.constant 0 : i32
      %dma_wait3A_131 = tpu.memref_slice %arg5[%add3A_35, %dma_wait3A_130] : memref<40x128xi32, #tpu.memory_space<vmem>> -> memref<1x128xi32, #tpu.memory_space<vmem>>
      %dma_wait3A_132 = tpu.memref_squeeze %dma_wait3A_131 : memref<1x128xi32, #tpu.memory_space<vmem>> -> memref<128xi32, #tpu.memory_space<vmem>>
      %dma_wait3A_133 = arith.constant 0 : i32
      %dma_wait3A_134 = arith.constant 0 : i32
      %dma_wait3A_135 = tpu.memref_slice %arg2[%dma_wait3A_133, %dma_wait3A_134] : memref<10000x32xbf16, #tpu.memory_space<hbm>> -> memref<10000x32xbf16, #tpu.memory_space<hbm>>
      tpu.wait_indirect_dma semaphore(%arg9 : memref<!tpu.dma_semaphore, #tpu.memory_space<semaphore_mem>>) src(%dma_wait3A_135 : memref<10000x32xbf16, #tpu.memory_space<hbm>>) dst(%dma_wait3A_129 : memref<128x32xbf16, #tpu.memory_space<vmem>>)
      %dma_wait3A_136 = arith.constant 384 : i32
      %dma_wait3A_137 = arith.constant 0 : i32
      %dma_wait3A_138 = tpu.memref_slice %arg6[%dma_wait3A_136, %dma_wait3A_137] : memref<1024x32xbf16, #tpu.memory_space<vmem>> -> memref<128x32xbf16, #tpu.memory_space<vmem>>
      %dma_wait3A_139 = arith.constant 0 : i32
      %dma_wait3A_140 = tpu.memref_slice %arg5[%add3A_48, %dma_wait3A_139] : memref<40x128xi32, #tpu.memory_space<vmem>> -> memref<1x128xi32, #tpu.memory_space<vmem>>
      %dma_wait3A_141 = tpu.memref_squeeze %dma_wait3A_140 : memref<1x128xi32, #tpu.memory_space<vmem>> -> memref<128xi32, #tpu.memory_space<vmem>>
      %dma_wait3A_142 = arith.constant 0 : i32
      %dma_wait3A_143 = arith.constant 0 : i32
      %dma_wait3A_144 = tpu.memref_slice %arg2[%dma_wait3A_142, %dma_wait3A_143] : memref<10000x32xbf16, #tpu.memory_space<hbm>> -> memref<10000x32xbf16, #tpu.memory_space<hbm>>
      tpu.wait_indirect_dma semaphore(%arg10 : memref<!tpu.dma_semaphore, #tpu.memory_space<semaphore_mem>>) src(%dma_wait3A_144 : memref<10000x32xbf16, #tpu.memory_space<hbm>>) dst(%dma_wait3A_138 : memref<128x32xbf16, #tpu.memory_space<vmem>>)
      %dma_wait3A_145 = arith.constant 512 : i32
      %dma_wait3A_146 = arith.constant 0 : i32
      %dma_wait3A_147 = tpu.memref_slice %arg6[%dma_wait3A_145, %dma_wait3A_146] : memref<1024x32xbf16, #tpu.memory_space<vmem>> -> memref<128x32xbf16, #tpu.memory_space<vmem>>
      %dma_wait3A_148 = arith.constant 0 : i32
      %dma_wait3A_149 = tpu.memref_slice %arg5[%add3A_61, %dma_wait3A_148] : memref<40x128xi32, #tpu.memory_space<vmem>> -> memref<1x128xi32, #tpu.memory_space<vmem>>
      %dma_wait3A_150 = tpu.memref_squeeze %dma_wait3A_149 : memref<1x128xi32, #tpu.memory_space<vmem>> -> memref<128xi32, #tpu.memory_space<vmem>>
      %dma_wait3A_151 = arith.constant 0 : i32
      %dma_wait3A_152 = arith.constant 0 : i32
      %dma_wait3A_153 = tpu.memref_slice %arg2[%dma_wait3A_151, %dma_wait3A_152] : memref<10000x32xbf16, #tpu.memory_space<hbm>> -> memref<10000x32xbf16, #tpu.memory_space<hbm>>
      tpu.wait_indirect_dma semaphore(%arg11 : memref<!tpu.dma_semaphore, #tpu.memory_space<semaphore_mem>>) src(%dma_wait3A_153 : memref<10000x32xbf16, #tpu.memory_space<hbm>>) dst(%dma_wait3A_147 : memref<128x32xbf16, #tpu.memory_space<vmem>>)
      %dma_wait3A_154 = arith.constant 640 : i32
      %dma_wait3A_155 = arith.constant 0 : i32
      %dma_wait3A_156 = tpu.memref_slice %arg6[%dma_wait3A_154, %dma_wait3A_155] : memref<1024x32xbf16, #tpu.memory_space<vmem>> -> memref<128x32xbf16, #tpu.memory_space<vmem>>
      %dma_wait3A_157 = arith.constant 0 : i32
      %dma_wait3A_158 = tpu.memref_slice %arg5[%add3A_74, %dma_wait3A_157] : memref<40x128xi32, #tpu.memory_space<vmem>> -> memref<1x128xi32, #tpu.memory_space<vmem>>
      %dma_wait3A_159 = tpu.memref_squeeze %dma_wait3A_158 : memref<1x128xi32, #tpu.memory_space<vmem>> -> memref<128xi32, #tpu.memory_space<vmem>>
      %dma_wait3A_160 = arith.constant 0 : i32
      %dma_wait3A_161 = arith.constant 0 : i32
      %dma_wait3A_162 = tpu.memref_slice %arg2[%dma_wait3A_160, %dma_wait3A_161] : memref<10000x32xbf16, #tpu.memory_space<hbm>> -> memref<10000x32xbf16, #tpu.memory_space<hbm>>
      tpu.wait_indirect_dma semaphore(%arg12 : memref<!tpu.dma_semaphore, #tpu.memory_space<semaphore_mem>>) src(%dma_wait3A_162 : memref<10000x32xbf16, #tpu.memory_space<hbm>>) dst(%dma_wait3A_156 : memref<128x32xbf16, #tpu.memory_space<vmem>>)
      %dma_wait3A_163 = arith.constant 768 : i32
      %dma_wait3A_164 = arith.constant 0 : i32
      %dma_wait3A_165 = tpu.memref_slice %arg6[%dma_wait3A_163, %dma_wait3A_164] : memref<1024x32xbf16, #tpu.memory_space<vmem>> -> memref<128x32xbf16, #tpu.memory_space<vmem>>
      %dma_wait3A_166 = arith.constant 0 : i32
      %dma_wait3A_167 = tpu.memref_slice %arg5[%add3A_87, %dma_wait3A_166] : memref<40x128xi32, #tpu.memory_space<vmem>> -> memref<1x128xi32, #tpu.memory_space<vmem>>
      %dma_wait3A_168 = tpu.memref_squeeze %dma_wait3A_167 : memref<1x128xi32, #tpu.memory_space<vmem>> -> memref<128xi32, #tpu.memory_space<vmem>>
      %dma_wait3A_169 = arith.constant 0 : i32
      %dma_wait3A_170 = arith.constant 0 : i32
      %dma_wait3A_171 = tpu.memref_slice %arg2[%dma_wait3A_169, %dma_wait3A_170] : memref<10000x32xbf16, #tpu.memory_space<hbm>> -> memref<10000x32xbf16, #tpu.memory_space<hbm>>
      tpu.wait_indirect_dma semaphore(%arg13 : memref<!tpu.dma_semaphore, #tpu.memory_space<semaphore_mem>>) src(%dma_wait3A_171 : memref<10000x32xbf16, #tpu.memory_space<hbm>>) dst(%dma_wait3A_165 : memref<128x32xbf16, #tpu.memory_space<vmem>>)
      %dma_wait3A_172 = arith.constant 896 : i32
      %dma_wait3A_173 = arith.constant 0 : i32
      %dma_wait3A_174 = tpu.memref_slice %arg6[%dma_wait3A_172, %dma_wait3A_173] : memref<1024x32xbf16, #tpu.memory_space<vmem>> -> memref<128x32xbf16, #tpu.memory_space<vmem>>
      %dma_wait3A_175 = arith.constant 0 : i32
      %dma_wait3A_176 = tpu.memref_slice %arg5[%add3A_100, %dma_wait3A_175] : memref<40x128xi32, #tpu.memory_space<vmem>> -> memref<1x128xi32, #tpu.memory_space<vmem>>
      %dma_wait3A_177 = tpu.memref_squeeze %dma_wait3A_176 : memref<1x128xi32, #tpu.memory_space<vmem>> -> memref<128xi32, #tpu.memory_space<vmem>>
      %dma_wait3A_178 = arith.constant 0 : i32
      %dma_wait3A_179 = arith.constant 0 : i32
      %dma_wait3A_180 = tpu.memref_slice %arg2[%dma_wait3A_178, %dma_wait3A_179] : memref<10000x32xbf16, #tpu.memory_space<hbm>> -> memref<10000x32xbf16, #tpu.memory_space<hbm>>
      tpu.wait_indirect_dma semaphore(%arg14 : memref<!tpu.dma_semaphore, #tpu.memory_space<semaphore_mem>>) src(%dma_wait3A_180 : memref<10000x32xbf16, #tpu.memory_space<hbm>>) dst(%dma_wait3A_174 : memref<128x32xbf16, #tpu.memory_space<vmem>>)
      %mul3A_181 = arith.constant 40 : i32
      %mul3A_182 = arith.muli %add3A, %mul3A_181 : i32
      %mul3A_183 = arith.constant 8 : i32
      %mul3A_184 = arith.muli %scan3A_6, %mul3A_183 : i32
      %add3A_185 = arith.addi %mul3A_182, %mul3A_184 : i32
      %mul3A_186 = arith.constant 128 : i32
      %mul3A_187 = arith.muli %add3A_185, %mul3A_186 : i32
      "tpu.region"() ({
        %run_scoped3A = tpu.sem_alloc : memref<!tpu.dma_semaphore, #tpu.memory_space<semaphore_mem>>
        %dma_start3A_188 = arith.constant 0 : i32
        %dma_start3A_189 = tpu.memref_slice %arg4[%mul3A_187, %dma_start3A_188] : memref<163840x32xbf16, #tpu.memory_space<hbm>> -> memref<1024x32xbf16, #tpu.memory_space<hbm>>
        %dma_start3A_190 = arith.constant 0 : i32
        %dma_start3A_191 = tpu.memref_slice %arg4[%mul3A_187, %dma_start3A_190] : memref<163840x32xbf16, #tpu.memory_space<hbm>> -> memref<1024x32xbf16, #tpu.memory_space<hbm>>
        tpu.enqueue_dma source(%arg6 : memref<1024x32xbf16, #tpu.memory_space<vmem>>) target(%dma_start3A_191 : memref<1024x32xbf16, #tpu.memory_space<hbm>>) target_semaphore(%run_scoped3A : memref<!tpu.dma_semaphore, #tpu.memory_space<semaphore_mem>>)
        %dma_wait3A_192 = arith.constant 0 : i32
        %dma_wait3A_193 = tpu.memref_slice %arg4[%mul3A_187, %dma_wait3A_192] : memref<163840x32xbf16, #tpu.memory_space<hbm>> -> memref<1024x32xbf16, #tpu.memory_space<hbm>>
        %dma_wait3A_194 = arith.constant 0 : i32
        %dma_wait3A_195 = tpu.memref_slice %arg4[%mul3A_187, %dma_wait3A_194] : memref<163840x32xbf16, #tpu.memory_space<hbm>> -> memref<1024x32xbf16, #tpu.memory_space<hbm>>
        tpu.wait_dma2 semaphore(%run_scoped3A : memref<!tpu.dma_semaphore, #tpu.memory_space<semaphore_mem>>) src(%arg6 : memref<1024x32xbf16, #tpu.memory_space<vmem>>) dst(%dma_wait3A_195 : memref<1024x32xbf16, #tpu.memory_space<hbm>>)
        tpu.yield
      }) : () -> ()
    }
    %scan3A_5 = arith.constant 5 : i32
    return
  }
}

#map = affine_map<(d0, d1) -> (0, 0)>
#map1 = affine_map<(d0, d1) -> (0, 0, 0)>
module attributes {stable_mosaic.version = 14 : i64} {
  func.func @k(%arg0: i32, %arg1: i32, %arg2: memref<163840x32xf32, #tpu.memory_space<hbm>>, %arg3: memref<32x40x128xi32, #tpu.memory_space<hbm>>, %arg4: memref<10016x32xf32, #tpu.memory_space<hbm>>, %arg5: memref<2x10016x32xf32, #tpu.memory_space<hbm>>, %arg6: memref<40x128xi32, #tpu.memory_space<vmem>>, %arg7: memref<1024x32xf32, #tpu.memory_space<vmem>>, %arg8: memref<10016x32xf32, #tpu.memory_space<vmem_shared>>) attributes {dimension_semantics = [#tpu.dimension_semantics<core_parallel>, #tpu.dimension_semantics<subcore_parallel>], iteration_bounds = array<i64: 2, 16>, scalar_prefetch = 0 : i64, scratch_operands = 3 : i64, tpu.core_type = #tpu.core_type<sc_vector_subcore>, window_params = [{transform_indices = #map}, {transform_indices = #map1}, {transform_indices = #map}, {transform_indices = #map1}]} {
    %mul3A = arith.constant 16 : i32
    %mul3A_0 = arith.muli %arg0, %mul3A : i32
    %add3A = arith.addi %mul3A_0, %arg1 : i32
    %mul3A_1 = arith.constant 626 : i32
    %mul3A_2 = arith.muli %arg1, %mul3A_1 : i32
    %mul3A_3 = arith.constant 626 : i32
    %mul3A_4 = arith.muli %arg1, %mul3A_3 : i32
    "tpu.region"() ({
      %run_scoped3A = tpu.sem_alloc : memref<!tpu.dma_semaphore, #tpu.memory_space<semaphore_mem>>
      %dma_start3A = arith.constant 0 : i32
      %dma_start3A_15 = tpu.memref_slice %arg8[%mul3A_4, %dma_start3A] : memref<10016x32xf32, #tpu.memory_space<vmem_shared>> -> memref<626x32xf32, #tpu.memory_space<vmem_shared>>
      %dma_start3A_16 = arith.constant 0 : i32
      %dma_start3A_17 = tpu.memref_slice %arg4[%mul3A_2, %dma_start3A_16] : memref<10016x32xf32, #tpu.memory_space<hbm>> -> memref<626x32xf32, #tpu.memory_space<hbm>>
      tpu.enqueue_dma source(%dma_start3A_17 : memref<626x32xf32, #tpu.memory_space<hbm>>) target(%dma_start3A_15 : memref<626x32xf32, #tpu.memory_space<vmem_shared>>) target_semaphore(%run_scoped3A : memref<!tpu.dma_semaphore, #tpu.memory_space<semaphore_mem>>)
      %dma_wait3A = arith.constant 0 : i32
      %dma_wait3A_18 = tpu.memref_slice %arg8[%mul3A_4, %dma_wait3A] : memref<10016x32xf32, #tpu.memory_space<vmem_shared>> -> memref<626x32xf32, #tpu.memory_space<vmem_shared>>
      %dma_wait3A_19 = arith.constant 0 : i32
      %dma_wait3A_20 = tpu.memref_slice %arg4[%mul3A_2, %dma_wait3A_19] : memref<10016x32xf32, #tpu.memory_space<hbm>> -> memref<626x32xf32, #tpu.memory_space<hbm>>
      tpu.wait_dma2 semaphore(%run_scoped3A : memref<!tpu.dma_semaphore, #tpu.memory_space<semaphore_mem>>) src(%dma_wait3A_20 : memref<626x32xf32, #tpu.memory_space<hbm>>) dst(%dma_wait3A_18 : memref<626x32xf32, #tpu.memory_space<vmem_shared>>)
      tpu.yield
    }) : () -> ()
    "tpu.region"() ({
      %run_scoped3A = tpu.sem_alloc : memref<!tpu.dma_semaphore, #tpu.memory_space<semaphore_mem>>
      %dma_start3A = arith.constant 0 : i32
      %dma_start3A_15 = arith.constant 0 : i32
      %dma_start3A_16 = tpu.memref_slice %arg3[%add3A, %dma_start3A, %dma_start3A_15] : memref<32x40x128xi32, #tpu.memory_space<hbm>> -> memref<1x40x128xi32, #tpu.memory_space<hbm>>
      %dma_start3A_17 = tpu.memref_squeeze %dma_start3A_16 : memref<1x40x128xi32, #tpu.memory_space<hbm>> -> memref<40x128xi32, #tpu.memory_space<hbm>>
      %dma_start3A_18 = arith.constant 0 : i32
      %dma_start3A_19 = arith.constant 0 : i32
      %dma_start3A_20 = tpu.memref_slice %arg3[%add3A, %dma_start3A_18, %dma_start3A_19] : memref<32x40x128xi32, #tpu.memory_space<hbm>> -> memref<1x40x128xi32, #tpu.memory_space<hbm>>
      %dma_start3A_21 = tpu.memref_squeeze %dma_start3A_20 : memref<1x40x128xi32, #tpu.memory_space<hbm>> -> memref<40x128xi32, #tpu.memory_space<hbm>>
      tpu.enqueue_dma source(%dma_start3A_21 : memref<40x128xi32, #tpu.memory_space<hbm>>) target(%arg6 : memref<40x128xi32, #tpu.memory_space<vmem>>) target_semaphore(%run_scoped3A : memref<!tpu.dma_semaphore, #tpu.memory_space<semaphore_mem>>)
      %dma_wait3A = arith.constant 0 : i32
      %dma_wait3A_22 = arith.constant 0 : i32
      %dma_wait3A_23 = tpu.memref_slice %arg3[%add3A, %dma_wait3A, %dma_wait3A_22] : memref<32x40x128xi32, #tpu.memory_space<hbm>> -> memref<1x40x128xi32, #tpu.memory_space<hbm>>
      %dma_wait3A_24 = tpu.memref_squeeze %dma_wait3A_23 : memref<1x40x128xi32, #tpu.memory_space<hbm>> -> memref<40x128xi32, #tpu.memory_space<hbm>>
      %dma_wait3A_25 = arith.constant 0 : i32
      %dma_wait3A_26 = arith.constant 0 : i32
      %dma_wait3A_27 = tpu.memref_slice %arg3[%add3A, %dma_wait3A_25, %dma_wait3A_26] : memref<32x40x128xi32, #tpu.memory_space<hbm>> -> memref<1x40x128xi32, #tpu.memory_space<hbm>>
      %dma_wait3A_28 = tpu.memref_squeeze %dma_wait3A_27 : memref<1x40x128xi32, #tpu.memory_space<hbm>> -> memref<40x128xi32, #tpu.memory_space<hbm>>
      tpu.wait_dma2 semaphore(%run_scoped3A : memref<!tpu.dma_semaphore, #tpu.memory_space<semaphore_mem>>) src(%dma_wait3A_28 : memref<40x128xi32, #tpu.memory_space<hbm>>) dst(%arg6 : memref<40x128xi32, #tpu.memory_space<vmem>>)
      tpu.yield
    }) : () -> ()
    %barrier3A = arith.constant 0 : index
    tpu.barrier barrier_id(%barrier3A)
    %scan3A = arith.constant 0 : i32
    %scan3A_5 = arith.constant 0 : i32
    %scan3A_6 = arith.constant 5 : i32
    %scan3A_7 = arith.addi %scan3A_5, %scan3A_6 : i32
    %scan3A_8 = arith.constant 1 : i32
    scf.for %scan3A_15 = %scan3A_5 to %scan3A_7 step %scan3A_8  : i32 {
      %mul3A_16 = arith.constant 40 : i32
      %mul3A_17 = arith.muli %add3A, %mul3A_16 : i32
      %mul3A_18 = arith.constant 8 : i32
      %mul3A_19 = arith.muli %scan3A_15, %mul3A_18 : i32
      %add3A_20 = arith.addi %mul3A_17, %mul3A_19 : i32
      %mul3A_21 = arith.constant 128 : i32
      %mul3A_22 = arith.muli %add3A_20, %mul3A_21 : i32
      "tpu.region"() ({
        %run_scoped3A = tpu.sem_alloc : memref<!tpu.dma_semaphore, #tpu.memory_space<semaphore_mem>>
        %dma_start3A = arith.constant 0 : i32
        %dma_start3A_55 = tpu.memref_slice %arg2[%mul3A_22, %dma_start3A] : memref<163840x32xf32, #tpu.memory_space<hbm>> -> memref<1024x32xf32, #tpu.memory_space<hbm>>
        %dma_start3A_56 = arith.constant 0 : i32
        %dma_start3A_57 = tpu.memref_slice %arg2[%mul3A_22, %dma_start3A_56] : memref<163840x32xf32, #tpu.memory_space<hbm>> -> memref<1024x32xf32, #tpu.memory_space<hbm>>
        tpu.enqueue_dma source(%dma_start3A_57 : memref<1024x32xf32, #tpu.memory_space<hbm>>) target(%arg7 : memref<1024x32xf32, #tpu.memory_space<vmem>>) target_semaphore(%run_scoped3A : memref<!tpu.dma_semaphore, #tpu.memory_space<semaphore_mem>>)
        %dma_wait3A = arith.constant 0 : i32
        %dma_wait3A_58 = tpu.memref_slice %arg2[%mul3A_22, %dma_wait3A] : memref<163840x32xf32, #tpu.memory_space<hbm>> -> memref<1024x32xf32, #tpu.memory_space<hbm>>
        %dma_wait3A_59 = arith.constant 0 : i32
        %dma_wait3A_60 = tpu.memref_slice %arg2[%mul3A_22, %dma_wait3A_59] : memref<163840x32xf32, #tpu.memory_space<hbm>> -> memref<1024x32xf32, #tpu.memory_space<hbm>>
        tpu.wait_dma2 semaphore(%run_scoped3A : memref<!tpu.dma_semaphore, #tpu.memory_space<semaphore_mem>>) src(%dma_wait3A_60 : memref<1024x32xf32, #tpu.memory_space<hbm>>) dst(%arg7 : memref<1024x32xf32, #tpu.memory_space<vmem>>)
        tpu.yield
      }) : () -> ()
      %mul3A_23 = arith.constant 8 : i32
      %mul3A_24 = arith.muli %scan3A_15, %mul3A_23 : i32
      %add3A_25 = arith.constant 0 : i32
      %add3A_26 = arith.addi %mul3A_24, %add3A_25 : i32
      "tpu.region"() ({
        %run_scoped3A = tpu.sem_alloc : memref<!tpu.dma_semaphore, #tpu.memory_space<semaphore_mem>>
        %dma_start3A = arith.constant 0 : i32
        %dma_start3A_55 = arith.constant 0 : i32
        %dma_start3A_56 = tpu.memref_slice %arg7[%dma_start3A, %dma_start3A_55] : memref<1024x32xf32, #tpu.memory_space<vmem>> -> memref<128x32xf32, #tpu.memory_space<vmem>>
        %dma_start3A_57 = arith.constant 0 : i32
        %dma_start3A_58 = tpu.memref_slice %arg6[%add3A_26, %dma_start3A_57] : memref<40x128xi32, #tpu.memory_space<vmem>> -> memref<1x128xi32, #tpu.memory_space<vmem>>
        %dma_start3A_59 = tpu.memref_squeeze %dma_start3A_58 : memref<1x128xi32, #tpu.memory_space<vmem>> -> memref<128xi32, #tpu.memory_space<vmem>>
        %dma_start3A_60 = arith.constant 0 : i32
        %dma_start3A_61 = arith.constant 0 : i32
        %dma_start3A_62 = tpu.memref_slice %arg8[%dma_start3A_60, %dma_start3A_61] : memref<10016x32xf32, #tpu.memory_space<vmem_shared>> -> memref<10016x32xf32, #tpu.memory_space<vmem_shared>>
        tpu.enqueue_indirect_dma source(%dma_start3A_56 : memref<128x32xf32, #tpu.memory_space<vmem>>) target(%dma_start3A_62 : memref<10016x32xf32, #tpu.memory_space<vmem_shared>>) offsets(%dma_start3A_59 : memref<128xi32, #tpu.memory_space<vmem>>) semaphore(%run_scoped3A : memref<!tpu.dma_semaphore, #tpu.memory_space<semaphore_mem>>) {add = true}
        %dma_wait3A = arith.constant 0 : i32
        %dma_wait3A_63 = arith.constant 0 : i32
        %dma_wait3A_64 = tpu.memref_slice %arg7[%dma_wait3A, %dma_wait3A_63] : memref<1024x32xf32, #tpu.memory_space<vmem>> -> memref<128x32xf32, #tpu.memory_space<vmem>>
        %dma_wait3A_65 = arith.constant 0 : i32
        %dma_wait3A_66 = tpu.memref_slice %arg6[%add3A_26, %dma_wait3A_65] : memref<40x128xi32, #tpu.memory_space<vmem>> -> memref<1x128xi32, #tpu.memory_space<vmem>>
        %dma_wait3A_67 = tpu.memref_squeeze %dma_wait3A_66 : memref<1x128xi32, #tpu.memory_space<vmem>> -> memref<128xi32, #tpu.memory_space<vmem>>
        %dma_wait3A_68 = arith.constant 0 : i32
        %dma_wait3A_69 = arith.constant 0 : i32
        %dma_wait3A_70 = tpu.memref_slice %arg8[%dma_wait3A_68, %dma_wait3A_69] : memref<10016x32xf32, #tpu.memory_space<vmem_shared>> -> memref<10016x32xf32, #tpu.memory_space<vmem_shared>>
        tpu.wait_indirect_dma semaphore(%run_scoped3A : memref<!tpu.dma_semaphore, #tpu.memory_space<semaphore_mem>>) src(%dma_wait3A_64 : memref<128x32xf32, #tpu.memory_space<vmem>>) dst(%dma_wait3A_70 : memref<10016x32xf32, #tpu.memory_space<vmem_shared>>)
        tpu.yield
      }) : () -> ()
      %mul3A_27 = arith.constant 8 : i32
      %mul3A_28 = arith.muli %scan3A_15, %mul3A_27 : i32
      %add3A_29 = arith.constant 1 : i32
      %add3A_30 = arith.addi %mul3A_28, %add3A_29 : i32
      "tpu.region"() ({
        %run_scoped3A = tpu.sem_alloc : memref<!tpu.dma_semaphore, #tpu.memory_space<semaphore_mem>>
        %dma_start3A = arith.constant 128 : i32
        %dma_start3A_55 = arith.constant 0 : i32
        %dma_start3A_56 = tpu.memref_slice %arg7[%dma_start3A, %dma_start3A_55] : memref<1024x32xf32, #tpu.memory_space<vmem>> -> memref<128x32xf32, #tpu.memory_space<vmem>>
        %dma_start3A_57 = arith.constant 0 : i32
        %dma_start3A_58 = tpu.memref_slice %arg6[%add3A_30, %dma_start3A_57] : memref<40x128xi32, #tpu.memory_space<vmem>> -> memref<1x128xi32, #tpu.memory_space<vmem>>
        %dma_start3A_59 = tpu.memref_squeeze %dma_start3A_58 : memref<1x128xi32, #tpu.memory_space<vmem>> -> memref<128xi32, #tpu.memory_space<vmem>>
        %dma_start3A_60 = arith.constant 0 : i32
        %dma_start3A_61 = arith.constant 0 : i32
        %dma_start3A_62 = tpu.memref_slice %arg8[%dma_start3A_60, %dma_start3A_61] : memref<10016x32xf32, #tpu.memory_space<vmem_shared>> -> memref<10016x32xf32, #tpu.memory_space<vmem_shared>>
        tpu.enqueue_indirect_dma source(%dma_start3A_56 : memref<128x32xf32, #tpu.memory_space<vmem>>) target(%dma_start3A_62 : memref<10016x32xf32, #tpu.memory_space<vmem_shared>>) offsets(%dma_start3A_59 : memref<128xi32, #tpu.memory_space<vmem>>) semaphore(%run_scoped3A : memref<!tpu.dma_semaphore, #tpu.memory_space<semaphore_mem>>) {add = true}
        %dma_wait3A = arith.constant 128 : i32
        %dma_wait3A_63 = arith.constant 0 : i32
        %dma_wait3A_64 = tpu.memref_slice %arg7[%dma_wait3A, %dma_wait3A_63] : memref<1024x32xf32, #tpu.memory_space<vmem>> -> memref<128x32xf32, #tpu.memory_space<vmem>>
        %dma_wait3A_65 = arith.constant 0 : i32
        %dma_wait3A_66 = tpu.memref_slice %arg6[%add3A_30, %dma_wait3A_65] : memref<40x128xi32, #tpu.memory_space<vmem>> -> memref<1x128xi32, #tpu.memory_space<vmem>>
        %dma_wait3A_67 = tpu.memref_squeeze %dma_wait3A_66 : memref<1x128xi32, #tpu.memory_space<vmem>> -> memref<128xi32, #tpu.memory_space<vmem>>
        %dma_wait3A_68 = arith.constant 0 : i32
        %dma_wait3A_69 = arith.constant 0 : i32
        %dma_wait3A_70 = tpu.memref_slice %arg8[%dma_wait3A_68, %dma_wait3A_69] : memref<10016x32xf32, #tpu.memory_space<vmem_shared>> -> memref<10016x32xf32, #tpu.memory_space<vmem_shared>>
        tpu.wait_indirect_dma semaphore(%run_scoped3A : memref<!tpu.dma_semaphore, #tpu.memory_space<semaphore_mem>>) src(%dma_wait3A_64 : memref<128x32xf32, #tpu.memory_space<vmem>>) dst(%dma_wait3A_70 : memref<10016x32xf32, #tpu.memory_space<vmem_shared>>)
        tpu.yield
      }) : () -> ()
      %mul3A_31 = arith.constant 8 : i32
      %mul3A_32 = arith.muli %scan3A_15, %mul3A_31 : i32
      %add3A_33 = arith.constant 2 : i32
      %add3A_34 = arith.addi %mul3A_32, %add3A_33 : i32
      "tpu.region"() ({
        %run_scoped3A = tpu.sem_alloc : memref<!tpu.dma_semaphore, #tpu.memory_space<semaphore_mem>>
        %dma_start3A = arith.constant 256 : i32
        %dma_start3A_55 = arith.constant 0 : i32
        %dma_start3A_56 = tpu.memref_slice %arg7[%dma_start3A, %dma_start3A_55] : memref<1024x32xf32, #tpu.memory_space<vmem>> -> memref<128x32xf32, #tpu.memory_space<vmem>>
        %dma_start3A_57 = arith.constant 0 : i32
        %dma_start3A_58 = tpu.memref_slice %arg6[%add3A_34, %dma_start3A_57] : memref<40x128xi32, #tpu.memory_space<vmem>> -> memref<1x128xi32, #tpu.memory_space<vmem>>
        %dma_start3A_59 = tpu.memref_squeeze %dma_start3A_58 : memref<1x128xi32, #tpu.memory_space<vmem>> -> memref<128xi32, #tpu.memory_space<vmem>>
        %dma_start3A_60 = arith.constant 0 : i32
        %dma_start3A_61 = arith.constant 0 : i32
        %dma_start3A_62 = tpu.memref_slice %arg8[%dma_start3A_60, %dma_start3A_61] : memref<10016x32xf32, #tpu.memory_space<vmem_shared>> -> memref<10016x32xf32, #tpu.memory_space<vmem_shared>>
        tpu.enqueue_indirect_dma source(%dma_start3A_56 : memref<128x32xf32, #tpu.memory_space<vmem>>) target(%dma_start3A_62 : memref<10016x32xf32, #tpu.memory_space<vmem_shared>>) offsets(%dma_start3A_59 : memref<128xi32, #tpu.memory_space<vmem>>) semaphore(%run_scoped3A : memref<!tpu.dma_semaphore, #tpu.memory_space<semaphore_mem>>) {add = true}
        %dma_wait3A = arith.constant 256 : i32
        %dma_wait3A_63 = arith.constant 0 : i32
        %dma_wait3A_64 = tpu.memref_slice %arg7[%dma_wait3A, %dma_wait3A_63] : memref<1024x32xf32, #tpu.memory_space<vmem>> -> memref<128x32xf32, #tpu.memory_space<vmem>>
        %dma_wait3A_65 = arith.constant 0 : i32
        %dma_wait3A_66 = tpu.memref_slice %arg6[%add3A_34, %dma_wait3A_65] : memref<40x128xi32, #tpu.memory_space<vmem>> -> memref<1x128xi32, #tpu.memory_space<vmem>>
        %dma_wait3A_67 = tpu.memref_squeeze %dma_wait3A_66 : memref<1x128xi32, #tpu.memory_space<vmem>> -> memref<128xi32, #tpu.memory_space<vmem>>
        %dma_wait3A_68 = arith.constant 0 : i32
        %dma_wait3A_69 = arith.constant 0 : i32
        %dma_wait3A_70 = tpu.memref_slice %arg8[%dma_wait3A_68, %dma_wait3A_69] : memref<10016x32xf32, #tpu.memory_space<vmem_shared>> -> memref<10016x32xf32, #tpu.memory_space<vmem_shared>>
        tpu.wait_indirect_dma semaphore(%run_scoped3A : memref<!tpu.dma_semaphore, #tpu.memory_space<semaphore_mem>>) src(%dma_wait3A_64 : memref<128x32xf32, #tpu.memory_space<vmem>>) dst(%dma_wait3A_70 : memref<10016x32xf32, #tpu.memory_space<vmem_shared>>)
        tpu.yield
      }) : () -> ()
      %mul3A_35 = arith.constant 8 : i32
      %mul3A_36 = arith.muli %scan3A_15, %mul3A_35 : i32
      %add3A_37 = arith.constant 3 : i32
      %add3A_38 = arith.addi %mul3A_36, %add3A_37 : i32
      "tpu.region"() ({
        %run_scoped3A = tpu.sem_alloc : memref<!tpu.dma_semaphore, #tpu.memory_space<semaphore_mem>>
        %dma_start3A = arith.constant 384 : i32
        %dma_start3A_55 = arith.constant 0 : i32
        %dma_start3A_56 = tpu.memref_slice %arg7[%dma_start3A, %dma_start3A_55] : memref<1024x32xf32, #tpu.memory_space<vmem>> -> memref<128x32xf32, #tpu.memory_space<vmem>>
        %dma_start3A_57 = arith.constant 0 : i32
        %dma_start3A_58 = tpu.memref_slice %arg6[%add3A_38, %dma_start3A_57] : memref<40x128xi32, #tpu.memory_space<vmem>> -> memref<1x128xi32, #tpu.memory_space<vmem>>
        %dma_start3A_59 = tpu.memref_squeeze %dma_start3A_58 : memref<1x128xi32, #tpu.memory_space<vmem>> -> memref<128xi32, #tpu.memory_space<vmem>>
        %dma_start3A_60 = arith.constant 0 : i32
        %dma_start3A_61 = arith.constant 0 : i32
        %dma_start3A_62 = tpu.memref_slice %arg8[%dma_start3A_60, %dma_start3A_61] : memref<10016x32xf32, #tpu.memory_space<vmem_shared>> -> memref<10016x32xf32, #tpu.memory_space<vmem_shared>>
        tpu.enqueue_indirect_dma source(%dma_start3A_56 : memref<128x32xf32, #tpu.memory_space<vmem>>) target(%dma_start3A_62 : memref<10016x32xf32, #tpu.memory_space<vmem_shared>>) offsets(%dma_start3A_59 : memref<128xi32, #tpu.memory_space<vmem>>) semaphore(%run_scoped3A : memref<!tpu.dma_semaphore, #tpu.memory_space<semaphore_mem>>) {add = true}
        %dma_wait3A = arith.constant 384 : i32
        %dma_wait3A_63 = arith.constant 0 : i32
        %dma_wait3A_64 = tpu.memref_slice %arg7[%dma_wait3A, %dma_wait3A_63] : memref<1024x32xf32, #tpu.memory_space<vmem>> -> memref<128x32xf32, #tpu.memory_space<vmem>>
        %dma_wait3A_65 = arith.constant 0 : i32
        %dma_wait3A_66 = tpu.memref_slice %arg6[%add3A_38, %dma_wait3A_65] : memref<40x128xi32, #tpu.memory_space<vmem>> -> memref<1x128xi32, #tpu.memory_space<vmem>>
        %dma_wait3A_67 = tpu.memref_squeeze %dma_wait3A_66 : memref<1x128xi32, #tpu.memory_space<vmem>> -> memref<128xi32, #tpu.memory_space<vmem>>
        %dma_wait3A_68 = arith.constant 0 : i32
        %dma_wait3A_69 = arith.constant 0 : i32
        %dma_wait3A_70 = tpu.memref_slice %arg8[%dma_wait3A_68, %dma_wait3A_69] : memref<10016x32xf32, #tpu.memory_space<vmem_shared>> -> memref<10016x32xf32, #tpu.memory_space<vmem_shared>>
        tpu.wait_indirect_dma semaphore(%run_scoped3A : memref<!tpu.dma_semaphore, #tpu.memory_space<semaphore_mem>>) src(%dma_wait3A_64 : memref<128x32xf32, #tpu.memory_space<vmem>>) dst(%dma_wait3A_70 : memref<10016x32xf32, #tpu.memory_space<vmem_shared>>)
        tpu.yield
      }) : () -> ()
      %mul3A_39 = arith.constant 8 : i32
      %mul3A_40 = arith.muli %scan3A_15, %mul3A_39 : i32
      %add3A_41 = arith.constant 4 : i32
      %add3A_42 = arith.addi %mul3A_40, %add3A_41 : i32
      "tpu.region"() ({
        %run_scoped3A = tpu.sem_alloc : memref<!tpu.dma_semaphore, #tpu.memory_space<semaphore_mem>>
        %dma_start3A = arith.constant 512 : i32
        %dma_start3A_55 = arith.constant 0 : i32
        %dma_start3A_56 = tpu.memref_slice %arg7[%dma_start3A, %dma_start3A_55] : memref<1024x32xf32, #tpu.memory_space<vmem>> -> memref<128x32xf32, #tpu.memory_space<vmem>>
        %dma_start3A_57 = arith.constant 0 : i32
        %dma_start3A_58 = tpu.memref_slice %arg6[%add3A_42, %dma_start3A_57] : memref<40x128xi32, #tpu.memory_space<vmem>> -> memref<1x128xi32, #tpu.memory_space<vmem>>
        %dma_start3A_59 = tpu.memref_squeeze %dma_start3A_58 : memref<1x128xi32, #tpu.memory_space<vmem>> -> memref<128xi32, #tpu.memory_space<vmem>>
        %dma_start3A_60 = arith.constant 0 : i32
        %dma_start3A_61 = arith.constant 0 : i32
        %dma_start3A_62 = tpu.memref_slice %arg8[%dma_start3A_60, %dma_start3A_61] : memref<10016x32xf32, #tpu.memory_space<vmem_shared>> -> memref<10016x32xf32, #tpu.memory_space<vmem_shared>>
        tpu.enqueue_indirect_dma source(%dma_start3A_56 : memref<128x32xf32, #tpu.memory_space<vmem>>) target(%dma_start3A_62 : memref<10016x32xf32, #tpu.memory_space<vmem_shared>>) offsets(%dma_start3A_59 : memref<128xi32, #tpu.memory_space<vmem>>) semaphore(%run_scoped3A : memref<!tpu.dma_semaphore, #tpu.memory_space<semaphore_mem>>) {add = true}
        %dma_wait3A = arith.constant 512 : i32
        %dma_wait3A_63 = arith.constant 0 : i32
        %dma_wait3A_64 = tpu.memref_slice %arg7[%dma_wait3A, %dma_wait3A_63] : memref<1024x32xf32, #tpu.memory_space<vmem>> -> memref<128x32xf32, #tpu.memory_space<vmem>>
        %dma_wait3A_65 = arith.constant 0 : i32
        %dma_wait3A_66 = tpu.memref_slice %arg6[%add3A_42, %dma_wait3A_65] : memref<40x128xi32, #tpu.memory_space<vmem>> -> memref<1x128xi32, #tpu.memory_space<vmem>>
        %dma_wait3A_67 = tpu.memref_squeeze %dma_wait3A_66 : memref<1x128xi32, #tpu.memory_space<vmem>> -> memref<128xi32, #tpu.memory_space<vmem>>
        %dma_wait3A_68 = arith.constant 0 : i32
        %dma_wait3A_69 = arith.constant 0 : i32
        %dma_wait3A_70 = tpu.memref_slice %arg8[%dma_wait3A_68, %dma_wait3A_69] : memref<10016x32xf32, #tpu.memory_space<vmem_shared>> -> memref<10016x32xf32, #tpu.memory_space<vmem_shared>>
        tpu.wait_indirect_dma semaphore(%run_scoped3A : memref<!tpu.dma_semaphore, #tpu.memory_space<semaphore_mem>>) src(%dma_wait3A_64 : memref<128x32xf32, #tpu.memory_space<vmem>>) dst(%dma_wait3A_70 : memref<10016x32xf32, #tpu.memory_space<vmem_shared>>)
        tpu.yield
      }) : () -> ()
      %mul3A_43 = arith.constant 8 : i32
      %mul3A_44 = arith.muli %scan3A_15, %mul3A_43 : i32
      %add3A_45 = arith.constant 5 : i32
      %add3A_46 = arith.addi %mul3A_44, %add3A_45 : i32
      "tpu.region"() ({
        %run_scoped3A = tpu.sem_alloc : memref<!tpu.dma_semaphore, #tpu.memory_space<semaphore_mem>>
        %dma_start3A = arith.constant 640 : i32
        %dma_start3A_55 = arith.constant 0 : i32
        %dma_start3A_56 = tpu.memref_slice %arg7[%dma_start3A, %dma_start3A_55] : memref<1024x32xf32, #tpu.memory_space<vmem>> -> memref<128x32xf32, #tpu.memory_space<vmem>>
        %dma_start3A_57 = arith.constant 0 : i32
        %dma_start3A_58 = tpu.memref_slice %arg6[%add3A_46, %dma_start3A_57] : memref<40x128xi32, #tpu.memory_space<vmem>> -> memref<1x128xi32, #tpu.memory_space<vmem>>
        %dma_start3A_59 = tpu.memref_squeeze %dma_start3A_58 : memref<1x128xi32, #tpu.memory_space<vmem>> -> memref<128xi32, #tpu.memory_space<vmem>>
        %dma_start3A_60 = arith.constant 0 : i32
        %dma_start3A_61 = arith.constant 0 : i32
        %dma_start3A_62 = tpu.memref_slice %arg8[%dma_start3A_60, %dma_start3A_61] : memref<10016x32xf32, #tpu.memory_space<vmem_shared>> -> memref<10016x32xf32, #tpu.memory_space<vmem_shared>>
        tpu.enqueue_indirect_dma source(%dma_start3A_56 : memref<128x32xf32, #tpu.memory_space<vmem>>) target(%dma_start3A_62 : memref<10016x32xf32, #tpu.memory_space<vmem_shared>>) offsets(%dma_start3A_59 : memref<128xi32, #tpu.memory_space<vmem>>) semaphore(%run_scoped3A : memref<!tpu.dma_semaphore, #tpu.memory_space<semaphore_mem>>) {add = true}
        %dma_wait3A = arith.constant 640 : i32
        %dma_wait3A_63 = arith.constant 0 : i32
        %dma_wait3A_64 = tpu.memref_slice %arg7[%dma_wait3A, %dma_wait3A_63] : memref<1024x32xf32, #tpu.memory_space<vmem>> -> memref<128x32xf32, #tpu.memory_space<vmem>>
        %dma_wait3A_65 = arith.constant 0 : i32
        %dma_wait3A_66 = tpu.memref_slice %arg6[%add3A_46, %dma_wait3A_65] : memref<40x128xi32, #tpu.memory_space<vmem>> -> memref<1x128xi32, #tpu.memory_space<vmem>>
        %dma_wait3A_67 = tpu.memref_squeeze %dma_wait3A_66 : memref<1x128xi32, #tpu.memory_space<vmem>> -> memref<128xi32, #tpu.memory_space<vmem>>
        %dma_wait3A_68 = arith.constant 0 : i32
        %dma_wait3A_69 = arith.constant 0 : i32
        %dma_wait3A_70 = tpu.memref_slice %arg8[%dma_wait3A_68, %dma_wait3A_69] : memref<10016x32xf32, #tpu.memory_space<vmem_shared>> -> memref<10016x32xf32, #tpu.memory_space<vmem_shared>>
        tpu.wait_indirect_dma semaphore(%run_scoped3A : memref<!tpu.dma_semaphore, #tpu.memory_space<semaphore_mem>>) src(%dma_wait3A_64 : memref<128x32xf32, #tpu.memory_space<vmem>>) dst(%dma_wait3A_70 : memref<10016x32xf32, #tpu.memory_space<vmem_shared>>)
        tpu.yield
      }) : () -> ()
      %mul3A_47 = arith.constant 8 : i32
      %mul3A_48 = arith.muli %scan3A_15, %mul3A_47 : i32
      %add3A_49 = arith.constant 6 : i32
      %add3A_50 = arith.addi %mul3A_48, %add3A_49 : i32
      "tpu.region"() ({
        %run_scoped3A = tpu.sem_alloc : memref<!tpu.dma_semaphore, #tpu.memory_space<semaphore_mem>>
        %dma_start3A = arith.constant 768 : i32
        %dma_start3A_55 = arith.constant 0 : i32
        %dma_start3A_56 = tpu.memref_slice %arg7[%dma_start3A, %dma_start3A_55] : memref<1024x32xf32, #tpu.memory_space<vmem>> -> memref<128x32xf32, #tpu.memory_space<vmem>>
        %dma_start3A_57 = arith.constant 0 : i32
        %dma_start3A_58 = tpu.memref_slice %arg6[%add3A_50, %dma_start3A_57] : memref<40x128xi32, #tpu.memory_space<vmem>> -> memref<1x128xi32, #tpu.memory_space<vmem>>
        %dma_start3A_59 = tpu.memref_squeeze %dma_start3A_58 : memref<1x128xi32, #tpu.memory_space<vmem>> -> memref<128xi32, #tpu.memory_space<vmem>>
        %dma_start3A_60 = arith.constant 0 : i32
        %dma_start3A_61 = arith.constant 0 : i32
        %dma_start3A_62 = tpu.memref_slice %arg8[%dma_start3A_60, %dma_start3A_61] : memref<10016x32xf32, #tpu.memory_space<vmem_shared>> -> memref<10016x32xf32, #tpu.memory_space<vmem_shared>>
        tpu.enqueue_indirect_dma source(%dma_start3A_56 : memref<128x32xf32, #tpu.memory_space<vmem>>) target(%dma_start3A_62 : memref<10016x32xf32, #tpu.memory_space<vmem_shared>>) offsets(%dma_start3A_59 : memref<128xi32, #tpu.memory_space<vmem>>) semaphore(%run_scoped3A : memref<!tpu.dma_semaphore, #tpu.memory_space<semaphore_mem>>) {add = true}
        %dma_wait3A = arith.constant 768 : i32
        %dma_wait3A_63 = arith.constant 0 : i32
        %dma_wait3A_64 = tpu.memref_slice %arg7[%dma_wait3A, %dma_wait3A_63] : memref<1024x32xf32, #tpu.memory_space<vmem>> -> memref<128x32xf32, #tpu.memory_space<vmem>>
        %dma_wait3A_65 = arith.constant 0 : i32
        %dma_wait3A_66 = tpu.memref_slice %arg6[%add3A_50, %dma_wait3A_65] : memref<40x128xi32, #tpu.memory_space<vmem>> -> memref<1x128xi32, #tpu.memory_space<vmem>>
        %dma_wait3A_67 = tpu.memref_squeeze %dma_wait3A_66 : memref<1x128xi32, #tpu.memory_space<vmem>> -> memref<128xi32, #tpu.memory_space<vmem>>
        %dma_wait3A_68 = arith.constant 0 : i32
        %dma_wait3A_69 = arith.constant 0 : i32
        %dma_wait3A_70 = tpu.memref_slice %arg8[%dma_wait3A_68, %dma_wait3A_69] : memref<10016x32xf32, #tpu.memory_space<vmem_shared>> -> memref<10016x32xf32, #tpu.memory_space<vmem_shared>>
        tpu.wait_indirect_dma semaphore(%run_scoped3A : memref<!tpu.dma_semaphore, #tpu.memory_space<semaphore_mem>>) src(%dma_wait3A_64 : memref<128x32xf32, #tpu.memory_space<vmem>>) dst(%dma_wait3A_70 : memref<10016x32xf32, #tpu.memory_space<vmem_shared>>)
        tpu.yield
      }) : () -> ()
      %mul3A_51 = arith.constant 8 : i32
      %mul3A_52 = arith.muli %scan3A_15, %mul3A_51 : i32
      %add3A_53 = arith.constant 7 : i32
      %add3A_54 = arith.addi %mul3A_52, %add3A_53 : i32
      "tpu.region"() ({
        %run_scoped3A = tpu.sem_alloc : memref<!tpu.dma_semaphore, #tpu.memory_space<semaphore_mem>>
        %dma_start3A = arith.constant 896 : i32
        %dma_start3A_55 = arith.constant 0 : i32
        %dma_start3A_56 = tpu.memref_slice %arg7[%dma_start3A, %dma_start3A_55] : memref<1024x32xf32, #tpu.memory_space<vmem>> -> memref<128x32xf32, #tpu.memory_space<vmem>>
        %dma_start3A_57 = arith.constant 0 : i32
        %dma_start3A_58 = tpu.memref_slice %arg6[%add3A_54, %dma_start3A_57] : memref<40x128xi32, #tpu.memory_space<vmem>> -> memref<1x128xi32, #tpu.memory_space<vmem>>
        %dma_start3A_59 = tpu.memref_squeeze %dma_start3A_58 : memref<1x128xi32, #tpu.memory_space<vmem>> -> memref<128xi32, #tpu.memory_space<vmem>>
        %dma_start3A_60 = arith.constant 0 : i32
        %dma_start3A_61 = arith.constant 0 : i32
        %dma_start3A_62 = tpu.memref_slice %arg8[%dma_start3A_60, %dma_start3A_61] : memref<10016x32xf32, #tpu.memory_space<vmem_shared>> -> memref<10016x32xf32, #tpu.memory_space<vmem_shared>>
        tpu.enqueue_indirect_dma source(%dma_start3A_56 : memref<128x32xf32, #tpu.memory_space<vmem>>) target(%dma_start3A_62 : memref<10016x32xf32, #tpu.memory_space<vmem_shared>>) offsets(%dma_start3A_59 : memref<128xi32, #tpu.memory_space<vmem>>) semaphore(%run_scoped3A : memref<!tpu.dma_semaphore, #tpu.memory_space<semaphore_mem>>) {add = true}
        %dma_wait3A = arith.constant 896 : i32
        %dma_wait3A_63 = arith.constant 0 : i32
        %dma_wait3A_64 = tpu.memref_slice %arg7[%dma_wait3A, %dma_wait3A_63] : memref<1024x32xf32, #tpu.memory_space<vmem>> -> memref<128x32xf32, #tpu.memory_space<vmem>>
        %dma_wait3A_65 = arith.constant 0 : i32
        %dma_wait3A_66 = tpu.memref_slice %arg6[%add3A_54, %dma_wait3A_65] : memref<40x128xi32, #tpu.memory_space<vmem>> -> memref<1x128xi32, #tpu.memory_space<vmem>>
        %dma_wait3A_67 = tpu.memref_squeeze %dma_wait3A_66 : memref<1x128xi32, #tpu.memory_space<vmem>> -> memref<128xi32, #tpu.memory_space<vmem>>
        %dma_wait3A_68 = arith.constant 0 : i32
        %dma_wait3A_69 = arith.constant 0 : i32
        %dma_wait3A_70 = tpu.memref_slice %arg8[%dma_wait3A_68, %dma_wait3A_69] : memref<10016x32xf32, #tpu.memory_space<vmem_shared>> -> memref<10016x32xf32, #tpu.memory_space<vmem_shared>>
        tpu.wait_indirect_dma semaphore(%run_scoped3A : memref<!tpu.dma_semaphore, #tpu.memory_space<semaphore_mem>>) src(%dma_wait3A_64 : memref<128x32xf32, #tpu.memory_space<vmem>>) dst(%dma_wait3A_70 : memref<10016x32xf32, #tpu.memory_space<vmem_shared>>)
        tpu.yield
      }) : () -> ()
    }
    %scan3A_9 = arith.constant 5 : i32
    %barrier3A_10 = arith.constant 0 : index
    tpu.barrier barrier_id(%barrier3A_10)
    %mul3A_11 = arith.constant 626 : i32
    %mul3A_12 = arith.muli %arg1, %mul3A_11 : i32
    %mul3A_13 = arith.constant 626 : i32
    %mul3A_14 = arith.muli %arg1, %mul3A_13 : i32
    "tpu.region"() ({
      %run_scoped3A = tpu.sem_alloc : memref<!tpu.dma_semaphore, #tpu.memory_space<semaphore_mem>>
      %dma_start3A = arith.constant 0 : i32
      %dma_start3A_15 = tpu.memref_slice %arg5[%arg0, %mul3A_14, %dma_start3A] : memref<2x10016x32xf32, #tpu.memory_space<hbm>> -> memref<1x626x32xf32, #tpu.memory_space<hbm>>
      %dma_start3A_16 = tpu.memref_squeeze %dma_start3A_15 : memref<1x626x32xf32, #tpu.memory_space<hbm>> -> memref<626x32xf32, #tpu.memory_space<hbm>>
      %dma_start3A_17 = arith.constant 0 : i32
      %dma_start3A_18 = tpu.memref_slice %arg8[%mul3A_12, %dma_start3A_17] : memref<10016x32xf32, #tpu.memory_space<vmem_shared>> -> memref<626x32xf32, #tpu.memory_space<vmem_shared>>
      tpu.enqueue_dma source(%dma_start3A_18 : memref<626x32xf32, #tpu.memory_space<vmem_shared>>) target(%dma_start3A_16 : memref<626x32xf32, #tpu.memory_space<hbm>>) target_semaphore(%run_scoped3A : memref<!tpu.dma_semaphore, #tpu.memory_space<semaphore_mem>>)
      %dma_wait3A = arith.constant 0 : i32
      %dma_wait3A_19 = tpu.memref_slice %arg5[%arg0, %mul3A_14, %dma_wait3A] : memref<2x10016x32xf32, #tpu.memory_space<hbm>> -> memref<1x626x32xf32, #tpu.memory_space<hbm>>
      %dma_wait3A_20 = tpu.memref_squeeze %dma_wait3A_19 : memref<1x626x32xf32, #tpu.memory_space<hbm>> -> memref<626x32xf32, #tpu.memory_space<hbm>>
      %dma_wait3A_21 = arith.constant 0 : i32
      %dma_wait3A_22 = tpu.memref_slice %arg8[%mul3A_12, %dma_wait3A_21] : memref<10016x32xf32, #tpu.memory_space<vmem_shared>> -> memref<626x32xf32, #tpu.memory_space<vmem_shared>>
      tpu.wait_dma2 semaphore(%run_scoped3A : memref<!tpu.dma_semaphore, #tpu.memory_space<semaphore_mem>>) src(%dma_wait3A_22 : memref<626x32xf32, #tpu.memory_space<vmem_shared>>) dst(%dma_wait3A_20 : memref<626x32xf32, #tpu.memory_space<hbm>>)
      tpu.yield
    }) : () -> ()
    return
  }
}

module attributes {stable_mosaic.version = 14 : i64} {
  func.func @_encoder_body(%arg0: memref<10000x128xf32, #tpu.memory_space<vmem>>, %arg1: memref<128x32xf32, #tpu.memory_space<vmem>>, %arg2: memref<3x32xf32, #tpu.memory_space<vmem>>, %arg3: memref<32x32xf32, #tpu.memory_space<vmem>>, %arg4: memref<3x32xf32, #tpu.memory_space<vmem>>, %arg5: memref<10000x32xf32, #tpu.memory_space<vmem>>, %arg6: memref<10000x32xbf16, #tpu.memory_space<vmem>>) attributes {dimension_semantics = [], scalar_prefetch = 0 : i64, scratch_operands = 0 : i64, tpu.core_type = #tpu.core_type<tc>} {
    %get3A = arith.constant 0 : index
    %get3A_0 = arith.constant 0 : index
    %get3A_1 = vector.load %arg0[%get3A, %get3A_0] : memref<10000x128xf32, #tpu.memory_space<vmem>>, vector<10000x128xf32>
    %get3A_2 = arith.constant 0 : index
    %get3A_3 = arith.constant 0 : index
    %get3A_4 = vector.load %arg1[%get3A_2, %get3A_3] : memref<128x32xf32, #tpu.memory_space<vmem>>, vector<128x32xf32>
    %dot_general3A = arith.constant dense<0.000000e+00> : vector<10000x32xf32>
    %dot_general3A_5 = tpu.matmul %get3A_1, %get3A_4, %dot_general3A {dimension_numbers = #tpu.dot_dimension_numbers<[1], [0], [0], [1], [0, 0, 1, 1], [], []>, transpose_lhs_hint = false} : vector<10000x128xf32>, vector<128x32xf32>, vector<10000x32xf32> -> vector<10000x32xf32>
    %get3A_6 = arith.constant 0 : index
    %get3A_7 = arith.constant 0 : index
    %get3A_8 = vector.load %arg2[%get3A_6, %get3A_7] : memref<3x32xf32, #tpu.memory_space<vmem>>, vector<1x32xf32>
    %add3A = vector.broadcast %get3A_8 : vector<1x32xf32> to vector<10000x32xf32>
    %add3A_9 = arith.addf %dot_general3A_5, %add3A : vector<10000x32xf32>
    %reduce_sum3A = arith.constant dense<0.000000e+00> : vector<32xf32>
    %reduce_sum3A_10 = vector.multi_reduction <add>, %add3A_9, %reduce_sum3A [0] : vector<10000x32xf32> to vector<32xf32>
    %broadcast_in_dim3A = vector.shape_cast %reduce_sum3A_10 : vector<32xf32> to vector<1x32xf32>
    %div3A = arith.constant 1.000000e+04 : f32
    %div3A_11 = vector.broadcast %div3A : f32 to vector<1x32xf32>
    %div3A_12 = arith.divf %broadcast_in_dim3A, %div3A_11 : vector<1x32xf32>
    %sub3A = vector.broadcast %div3A_12 : vector<1x32xf32> to vector<10000x32xf32>
    %sub3A_13 = arith.subf %add3A_9, %sub3A : vector<10000x32xf32>
    %mul3A = arith.mulf %sub3A_13, %sub3A_13 : vector<10000x32xf32>
    %reduce_sum3A_14 = arith.constant dense<0.000000e+00> : vector<32xf32>
    %reduce_sum3A_15 = vector.multi_reduction <add>, %mul3A, %reduce_sum3A_14 [0] : vector<10000x32xf32> to vector<32xf32>
    %broadcast_in_dim3A_16 = vector.shape_cast %reduce_sum3A_15 : vector<32xf32> to vector<1x32xf32>
    %div3A_17 = arith.constant 1.000000e+04 : f32
    %div3A_18 = vector.broadcast %div3A_17 : f32 to vector<1x32xf32>
    %div3A_19 = arith.divf %broadcast_in_dim3A_16, %div3A_18 : vector<1x32xf32>
    %get3A_20 = arith.constant 1 : index
    %get3A_21 = arith.constant 0 : index
    %get3A_22 = vector.load %arg2[%get3A_20, %get3A_21] : memref<3x32xf32, #tpu.memory_space<vmem>>, vector<1x32xf32>
    %add3A_23 = arith.constant 9.99999974E-6 : f32
    %add3A_24 = vector.broadcast %add3A_23 : f32 to vector<1x32xf32>
    %add3A_25 = arith.addf %div3A_19, %add3A_24 : vector<1x32xf32>
    %rsqrt3A = math.rsqrt %add3A_25 : vector<1x32xf32>
    %mul3A_26 = arith.mulf %get3A_22, %rsqrt3A : vector<1x32xf32>
    %mul3A_27 = vector.broadcast %mul3A_26 : vector<1x32xf32> to vector<10000x32xf32>
    %mul3A_28 = arith.mulf %sub3A_13, %mul3A_27 : vector<10000x32xf32>
    %get3A_29 = arith.constant 2 : index
    %get3A_30 = arith.constant 0 : index
    %get3A_31 = vector.load %arg2[%get3A_29, %get3A_30] : memref<3x32xf32, #tpu.memory_space<vmem>>, vector<1x32xf32>
    %add3A_32 = vector.broadcast %get3A_31 : vector<1x32xf32> to vector<10000x32xf32>
    %add3A_33 = arith.addf %mul3A_28, %add3A_32 : vector<10000x32xf32>
    %max3A = arith.constant 0.000000e+00 : f32
    %max3A_34 = vector.broadcast %max3A : f32 to vector<10000x32xf32>
    %max3A_35 = arith.maximumf %add3A_33, %max3A_34 : vector<10000x32xf32>
    %get3A_36 = arith.constant 0 : index
    %get3A_37 = arith.constant 0 : index
    %get3A_38 = vector.load %arg3[%get3A_36, %get3A_37] : memref<32x32xf32, #tpu.memory_space<vmem>>, vector<32x32xf32>
    %dot_general3A_39 = arith.constant dense<0.000000e+00> : vector<10000x32xf32>
    %dot_general3A_40 = tpu.matmul %max3A_35, %get3A_38, %dot_general3A_39 {dimension_numbers = #tpu.dot_dimension_numbers<[1], [0], [0], [1], [0, 0, 1, 1], [], []>, transpose_lhs_hint = false} : vector<10000x32xf32>, vector<32x32xf32>, vector<10000x32xf32> -> vector<10000x32xf32>
    %get3A_41 = arith.constant 0 : index
    %get3A_42 = arith.constant 0 : index
    %get3A_43 = vector.load %arg4[%get3A_41, %get3A_42] : memref<3x32xf32, #tpu.memory_space<vmem>>, vector<1x32xf32>
    %add3A_44 = vector.broadcast %get3A_43 : vector<1x32xf32> to vector<10000x32xf32>
    %add3A_45 = arith.addf %dot_general3A_40, %add3A_44 : vector<10000x32xf32>
    %reduce_sum3A_46 = arith.constant dense<0.000000e+00> : vector<32xf32>
    %reduce_sum3A_47 = vector.multi_reduction <add>, %add3A_45, %reduce_sum3A_46 [0] : vector<10000x32xf32> to vector<32xf32>
    %broadcast_in_dim3A_48 = vector.shape_cast %reduce_sum3A_47 : vector<32xf32> to vector<1x32xf32>
    %div3A_49 = arith.constant 1.000000e+04 : f32
    %div3A_50 = vector.broadcast %div3A_49 : f32 to vector<1x32xf32>
    %div3A_51 = arith.divf %broadcast_in_dim3A_48, %div3A_50 : vector<1x32xf32>
    %sub3A_52 = vector.broadcast %div3A_51 : vector<1x32xf32> to vector<10000x32xf32>
    %sub3A_53 = arith.subf %add3A_45, %sub3A_52 : vector<10000x32xf32>
    %mul3A_54 = arith.mulf %sub3A_53, %sub3A_53 : vector<10000x32xf32>
    %reduce_sum3A_55 = arith.constant dense<0.000000e+00> : vector<32xf32>
    %reduce_sum3A_56 = vector.multi_reduction <add>, %mul3A_54, %reduce_sum3A_55 [0] : vector<10000x32xf32> to vector<32xf32>
    %broadcast_in_dim3A_57 = vector.shape_cast %reduce_sum3A_56 : vector<32xf32> to vector<1x32xf32>
    %div3A_58 = arith.constant 1.000000e+04 : f32
    %div3A_59 = vector.broadcast %div3A_58 : f32 to vector<1x32xf32>
    %div3A_60 = arith.divf %broadcast_in_dim3A_57, %div3A_59 : vector<1x32xf32>
    %get3A_61 = arith.constant 1 : index
    %get3A_62 = arith.constant 0 : index
    %get3A_63 = vector.load %arg4[%get3A_61, %get3A_62] : memref<3x32xf32, #tpu.memory_space<vmem>>, vector<1x32xf32>
    %add3A_64 = arith.constant 9.99999974E-6 : f32
    %add3A_65 = vector.broadcast %add3A_64 : f32 to vector<1x32xf32>
    %add3A_66 = arith.addf %div3A_60, %add3A_65 : vector<1x32xf32>
    %rsqrt3A_67 = math.rsqrt %add3A_66 : vector<1x32xf32>
    %mul3A_68 = arith.mulf %get3A_63, %rsqrt3A_67 : vector<1x32xf32>
    %mul3A_69 = vector.broadcast %mul3A_68 : vector<1x32xf32> to vector<10000x32xf32>
    %mul3A_70 = arith.mulf %sub3A_53, %mul3A_69 : vector<10000x32xf32>
    %get3A_71 = arith.constant 2 : index
    %get3A_72 = arith.constant 0 : index
    %get3A_73 = vector.load %arg4[%get3A_71, %get3A_72] : memref<3x32xf32, #tpu.memory_space<vmem>>, vector<1x32xf32>
    %add3A_74 = vector.broadcast %get3A_73 : vector<1x32xf32> to vector<10000x32xf32>
    %add3A_75 = arith.addf %mul3A_70, %add3A_74 : vector<10000x32xf32>
    %max3A_76 = arith.constant 0.000000e+00 : f32
    %max3A_77 = vector.broadcast %max3A_76 : f32 to vector<10000x32xf32>
    %max3A_78 = arith.maximumf %add3A_75, %max3A_77 : vector<10000x32xf32>
    %swap3A = arith.constant 0 : index
    %swap3A_79 = arith.constant 0 : index
    %swap3A_80 = vector.load %arg5[%swap3A, %swap3A_79] : memref<10000x32xf32, #tpu.memory_space<vmem>>, vector<10000x32xf32>
    tpu.vector_store %arg5[%swap3A, %swap3A_79], %max3A_78 {strides = array<i32>} : memref<10000x32xf32, #tpu.memory_space<vmem>>, vector<10000x32xf32>,
    %convert_element_type3A = arith.truncf %max3A_78 : vector<10000x32xf32> to vector<10000x32xbf16>
    %swap3A_81 = arith.constant 0 : index
    %swap3A_82 = arith.constant 0 : index
    %swap3A_83 = vector.load %arg6[%swap3A_81, %swap3A_82] : memref<10000x32xbf16, #tpu.memory_space<vmem>>, vector<10000x32xbf16>
    tpu.vector_store %arg6[%swap3A_81, %swap3A_82], %convert_element_type3A {strides = array<i32>} : memref<10000x32xbf16, #tpu.memory_space<vmem>>, vector<10000x32xbf16>,
    return
  }
}

module attributes {stable_mosaic.version = 14 : i64} {
  func.func @_msg_body(%arg0: i32, %arg1: memref<4096x32xbf16, #tpu.memory_space<vmem>>, %arg2: memref<4096x16xbf16, #tpu.memory_space<vmem>>, %arg3: memref<16x1024xbf16, #tpu.memory_space<vmem>>, %arg4: memref<1x1024xf32, #tpu.memory_space<vmem>>, %arg5: memref<32x1024xbf16, #tpu.memory_space<vmem>>, %arg6: memref<4096x32xf32, #tpu.memory_space<vmem>>) attributes {dimension_semantics = [#tpu.dimension_semantics<arbitrary>], iteration_bounds = array<i64: 40>, scalar_prefetch = 0 : i64, scratch_operands = 0 : i64, tpu.core_type = #tpu.core_type<tc>, window_params = [{transform_indices = @transform_0, window_bounds = array<i64: 4096, 32>}, {transform_indices = @transform_1, window_bounds = array<i64: 4096, 16>}, {pipeline_mode = #tpu.pipeline_mode<synchronous>, transform_indices = @transform_2, window_bounds = array<i64: 16, 1024>}, {pipeline_mode = #tpu.pipeline_mode<synchronous>, transform_indices = @transform_3, window_bounds = array<i64: 1, 1024>}, {pipeline_mode = #tpu.pipeline_mode<synchronous>, transform_indices = @transform_4, window_bounds = array<i64: 32, 1024>}, {transform_indices = @transform_5, window_bounds = array<i64: 4096, 32>}]} {
    %get3A = arith.constant 0 : index
    %get3A_0 = arith.constant 0 : index
    %get3A_1 = vector.load %arg2[%get3A, %get3A_0] : memref<4096x16xbf16, #tpu.memory_space<vmem>>, vector<4096x16xbf16>
    %get3A_2 = arith.constant 0 : index
    %get3A_3 = arith.constant 0 : index
    %get3A_4 = vector.load %arg3[%get3A_2, %get3A_3] : memref<16x1024xbf16, #tpu.memory_space<vmem>>, vector<16x1024xbf16>
    %dot_general3A = arith.constant dense<0.000000e+00> : vector<4096x1024xf32>
    %dot_general3A_5 = tpu.matmul %get3A_1, %get3A_4, %dot_general3A {dimension_numbers = #tpu.dot_dimension_numbers<[1], [0], [0], [1], [0, 0, 1, 1], [], []>, transpose_lhs_hint = false} : vector<4096x16xbf16>, vector<16x1024xbf16>, vector<4096x1024xf32> -> vector<4096x1024xf32>
    %get3A_6 = arith.constant 0 : index
    %get3A_7 = arith.constant 0 : index
    %get3A_8 = vector.load %arg4[%get3A_6, %get3A_7] : memref<1x1024xf32, #tpu.memory_space<vmem>>, vector<1x1024xf32>
    %add3A = vector.broadcast %get3A_8 : vector<1x1024xf32> to vector<4096x1024xf32>
    %add3A_9 = arith.addf %dot_general3A_5, %add3A : vector<4096x1024xf32>
    %convert_element_type3A = arith.truncf %add3A_9 : vector<4096x1024xf32> to vector<4096x1024xbf16>
    %convert_element_type3A_10 = arith.extf %convert_element_type3A : vector<4096x1024xbf16> to vector<4096x1024xf32>
    %get3A_11 = arith.constant 0 : index
    %get3A_12 = arith.constant 0 : index
    %get3A_13 = vector.load %arg1[%get3A_11, %get3A_12] : memref<4096x32xbf16, #tpu.memory_space<vmem>>, vector<4096x32xbf16>
    %get3A_14 = arith.constant 0 : index
    %get3A_15 = arith.constant 0 : index
    %get3A_16 = vector.load %arg5[%get3A_14, %get3A_15] : memref<32x1024xbf16, #tpu.memory_space<vmem>>, vector<32x1024xbf16>
    %dot_general3A_17 = arith.constant dense<0.000000e+00> : vector<4096x1024xf32>
    %dot_general3A_18 = tpu.matmul %get3A_13, %get3A_16, %dot_general3A_17 {dimension_numbers = #tpu.dot_dimension_numbers<[1], [0], [0], [1], [0, 0, 1, 1], [], []>, transpose_lhs_hint = false} : vector<4096x32xbf16>, vector<32x1024xbf16>, vector<4096x1024xf32> -> vector<4096x1024xf32>
    %mul3A = arith.mulf %dot_general3A_18, %convert_element_type3A_10 : vector<4096x1024xf32>
    %slice3A = vector.extract_strided_slice %mul3A {offsets = [0, 0], sizes = [4096, 128], strides = [1, 1]} : vector<4096x1024xf32> to vector<4096x128xf32>
    %slice3A_19 = vector.extract_strided_slice %mul3A {offsets = [0, 128], sizes = [4096, 128], strides = [1, 1]} : vector<4096x1024xf32> to vector<4096x128xf32>
    %add3A_20 = arith.addf %slice3A, %slice3A_19 : vector<4096x128xf32>
    %slice3A_21 = vector.extract_strided_slice %mul3A {offsets = [0, 256], sizes = [4096, 128], strides = [1, 1]} : vector<4096x1024xf32> to vector<4096x128xf32>
    %add3A_22 = arith.addf %add3A_20, %slice3A_21 : vector<4096x128xf32>
    %slice3A_23 = vector.extract_strided_slice %mul3A {offsets = [0, 384], sizes = [4096, 128], strides = [1, 1]} : vector<4096x1024xf32> to vector<4096x128xf32>
    %add3A_24 = arith.addf %add3A_22, %slice3A_23 : vector<4096x128xf32>
    %slice3A_25 = vector.extract_strided_slice %mul3A {offsets = [0, 512], sizes = [4096, 128], strides = [1, 1]} : vector<4096x1024xf32> to vector<4096x128xf32>
    %add3A_26 = arith.addf %add3A_24, %slice3A_25 : vector<4096x128xf32>
    %slice3A_27 = vector.extract_strided_slice %mul3A {offsets = [0, 640], sizes = [4096, 128], strides = [1, 1]} : vector<4096x1024xf32> to vector<4096x128xf32>
    %add3A_28 = arith.addf %add3A_26, %slice3A_27 : vector<4096x128xf32>
    %slice3A_29 = vector.extract_strided_slice %mul3A {offsets = [0, 768], sizes = [4096, 128], strides = [1, 1]} : vector<4096x1024xf32> to vector<4096x128xf32>
    %add3A_30 = arith.addf %add3A_28, %slice3A_29 : vector<4096x128xf32>
    %slice3A_31 = vector.extract_strided_slice %mul3A {offsets = [0, 896], sizes = [4096, 128], strides = [1, 1]} : vector<4096x1024xf32> to vector<4096x128xf32>
    %add3A_32 = arith.addf %add3A_30, %slice3A_31 : vector<4096x128xf32>
    %slice3A_33 = vector.extract_strided_slice %add3A_32 {offsets = [0, 0], sizes = [4096, 32], strides = [1, 1]} : vector<4096x128xf32> to vector<4096x32xf32>
    %slice3A_34 = vector.extract_strided_slice %add3A_32 {offsets = [0, 32], sizes = [4096, 32], strides = [1, 1]} : vector<4096x128xf32> to vector<4096x32xf32>
    %add3A_35 = arith.addf %slice3A_33, %slice3A_34 : vector<4096x32xf32>
    %slice3A_36 = vector.extract_strided_slice %add3A_32 {offsets = [0, 64], sizes = [4096, 32], strides = [1, 1]} : vector<4096x128xf32> to vector<4096x32xf32>
    %slice3A_37 = vector.extract_strided_slice %add3A_32 {offsets = [0, 96], sizes = [4096, 32], strides = [1, 1]} : vector<4096x128xf32> to vector<4096x32xf32>
    %add3A_38 = arith.addf %slice3A_36, %slice3A_37 : vector<4096x32xf32>
    %add3A_39 = arith.addf %add3A_35, %add3A_38 : vector<4096x32xf32>
    %swap3A = arith.constant 0 : index
    %swap3A_40 = arith.constant 0 : index
    %swap3A_41 = vector.load %arg6[%swap3A, %swap3A_40] : memref<4096x32xf32, #tpu.memory_space<vmem>>, vector<4096x32xf32>
    tpu.vector_store %arg6[%swap3A, %swap3A_40], %add3A_39 {strides = array<i32>} : memref<4096x32xf32, #tpu.memory_space<vmem>>, vector<4096x32xf32>,
    return
  }
  func.func @transform_0(%arg0: i32) -> (i32, i32) {
    %c0_i32 = arith.constant 0 : i32
    %c0_i32_0 = arith.constant 0 : i32
    return %arg0, %c0_i32 : i32, i32
  }
  func.func @transform_1(%arg0: i32) -> (i32, i32) {
    %c0_i32 = arith.constant 0 : i32
    %c0_i32_0 = arith.constant 0 : i32
    return %arg0, %c0_i32 : i32, i32
  }
  func.func @transform_2(%arg0: i32) -> (i32, i32) {
    %c0_i32 = arith.constant 0 : i32
    %c0_i32_0 = arith.constant 0 : i32
    %c0_i32_1 = arith.constant 0 : i32
    return %c0_i32, %c0_i32_0 : i32, i32
  }
  func.func @transform_3(%arg0: i32) -> (i32, i32) {
    %c0_i32 = arith.constant 0 : i32
    %c0_i32_0 = arith.constant 0 : i32
    %c0_i32_1 = arith.constant 0 : i32
    return %c0_i32, %c0_i32_0 : i32, i32
  }
  func.func @transform_4(%arg0: i32) -> (i32, i32) {
    %c0_i32 = arith.constant 0 : i32
    %c0_i32_0 = arith.constant 0 : i32
    %c0_i32_1 = arith.constant 0 : i32
    return %c0_i32, %c0_i32_0 : i32, i32
  }
  func.func @transform_5(%arg0: i32) -> (i32, i32) {
    %c0_i32 = arith.constant 0 : i32
    %c0_i32_0 = arith.constant 0 : i32
    return %arg0, %c0_i32 : i32, i32
  }
}

module attributes {stable_mosaic.version = 14 : i64} {
  func.func @_gru_body(%arg0: i32, %arg1: memref<1000x32xf32, #tpu.memory_space<vmem>>, %arg2: memref<2x1000x32xf32, #tpu.memory_space<vmem>>, %arg3: memref<6x32x32xf32, #tpu.memory_space<vmem>>, %arg4: memref<6x32xf32, #tpu.memory_space<vmem>>, %arg5: memref<1000x32xf32, #tpu.memory_space<vmem>>) attributes {dimension_semantics = [#tpu.dimension_semantics<arbitrary>], iteration_bounds = array<i64: 10>, scalar_prefetch = 0 : i64, scratch_operands = 0 : i64, tpu.core_type = #tpu.core_type<tc>, window_params = [{transform_indices = @transform_0, window_bounds = array<i64: 1000, 32>}, {transform_indices = @transform_1, window_bounds = array<i64: 2, 1000, 32>}, {pipeline_mode = #tpu.pipeline_mode<synchronous>, transform_indices = @transform_2, window_bounds = array<i64: 6, 32, 32>}, {pipeline_mode = #tpu.pipeline_mode<synchronous>, transform_indices = @transform_3, window_bounds = array<i64: 6, 32>}, {transform_indices = @transform_4, window_bounds = array<i64: 1000, 32>}]} {
    %get3A = arith.constant 0 : index
    %get3A_0 = arith.constant 0 : index
    %get3A_1 = vector.load %arg1[%get3A, %get3A_0] : memref<1000x32xf32, #tpu.memory_space<vmem>>, vector<1000x32xf32>
    %get3A_2 = arith.constant 0 : index
    %get3A_3 = arith.constant 0 : index
    %get3A_4 = arith.constant 0 : index
    %get3A_5 = vector.load %arg2[%get3A_2, %get3A_3, %get3A_4] : memref<2x1000x32xf32, #tpu.memory_space<vmem>>, vector<1x1000x32xf32>
    %get3A_6 = vector.shape_cast %get3A_5 : vector<1x1000x32xf32> to vector<1000x32xf32>
    %get3A_7 = arith.constant 1 : index
    %get3A_8 = arith.constant 0 : index
    %get3A_9 = arith.constant 0 : index
    %get3A_10 = vector.load %arg2[%get3A_7, %get3A_8, %get3A_9] : memref<2x1000x32xf32, #tpu.memory_space<vmem>>, vector<1x1000x32xf32>
    %get3A_11 = vector.shape_cast %get3A_10 : vector<1x1000x32xf32> to vector<1000x32xf32>
    %add3A = arith.addf %get3A_6, %get3A_11 : vector<1000x32xf32>
    %get3A_12 = arith.constant 0 : index
    %get3A_13 = arith.constant 0 : index
    %get3A_14 = arith.constant 0 : index
    %get3A_15 = vector.load %arg3[%get3A_12, %get3A_13, %get3A_14] : memref<6x32x32xf32, #tpu.memory_space<vmem>>, vector<1x32x32xf32>
    %get3A_16 = vector.shape_cast %get3A_15 : vector<1x32x32xf32> to vector<32x32xf32>
    %dot_general3A = arith.constant dense<0.000000e+00> : vector<1000x32xf32>
    %dot_general3A_17 = tpu.matmul %add3A, %get3A_16, %dot_general3A {dimension_numbers = #tpu.dot_dimension_numbers<[1], [0], [0], [1], [0, 0, 1, 1], [], []>, transpose_lhs_hint = false} : vector<1000x32xf32>, vector<32x32xf32>, vector<1000x32xf32> -> vector<1000x32xf32>
    %get3A_18 = arith.constant 0 : index
    %get3A_19 = arith.constant 0 : index
    %get3A_20 = vector.load %arg4[%get3A_18, %get3A_19] : memref<6x32xf32, #tpu.memory_space<vmem>>, vector<1x32xf32>
    %add3A_21 = vector.broadcast %get3A_20 : vector<1x32xf32> to vector<1000x32xf32>
    %add3A_22 = arith.addf %dot_general3A_17, %add3A_21 : vector<1000x32xf32>
    %get3A_23 = arith.constant 3 : index
    %get3A_24 = arith.constant 0 : index
    %get3A_25 = arith.constant 0 : index
    %get3A_26 = vector.load %arg3[%get3A_23, %get3A_24, %get3A_25] : memref<6x32x32xf32, #tpu.memory_space<vmem>>, vector<1x32x32xf32>
    %get3A_27 = vector.shape_cast %get3A_26 : vector<1x32x32xf32> to vector<32x32xf32>
    %dot_general3A_28 = arith.constant dense<0.000000e+00> : vector<1000x32xf32>
    %dot_general3A_29 = tpu.matmul %get3A_1, %get3A_27, %dot_general3A_28 {dimension_numbers = #tpu.dot_dimension_numbers<[1], [0], [0], [1], [0, 0, 1, 1], [], []>, transpose_lhs_hint = false} : vector<1000x32xf32>, vector<32x32xf32>, vector<1000x32xf32> -> vector<1000x32xf32>
    %get3A_30 = arith.constant 3 : index
    %get3A_31 = arith.constant 0 : index
    %get3A_32 = vector.load %arg4[%get3A_30, %get3A_31] : memref<6x32xf32, #tpu.memory_space<vmem>>, vector<1x32xf32>
    %add3A_33 = vector.broadcast %get3A_32 : vector<1x32xf32> to vector<1000x32xf32>
    %add3A_34 = arith.addf %dot_general3A_29, %add3A_33 : vector<1000x32xf32>
    %add3A_35 = arith.addf %add3A_22, %add3A_34 : vector<1000x32xf32>
    %logistic3A = arith.negf %add3A_35 : vector<1000x32xf32>
    %logistic3A_36 = math.exp %logistic3A : vector<1000x32xf32>
    %logistic3A_37 = arith.constant 1.000000e+00 : f32
    %logistic3A_38 = vector.broadcast %logistic3A_37 : f32 to vector<1000x32xf32>
    %logistic3A_39 = arith.addf %logistic3A_38, %logistic3A_36 : vector<1000x32xf32>
    %logistic3A_40 = arith.divf %logistic3A_38, %logistic3A_39 : vector<1000x32xf32>
    %get3A_41 = arith.constant 1 : index
    %get3A_42 = arith.constant 0 : index
    %get3A_43 = arith.constant 0 : index
    %get3A_44 = vector.load %arg3[%get3A_41, %get3A_42, %get3A_43] : memref<6x32x32xf32, #tpu.memory_space<vmem>>, vector<1x32x32xf32>
    %get3A_45 = vector.shape_cast %get3A_44 : vector<1x32x32xf32> to vector<32x32xf32>
    %dot_general3A_46 = arith.constant dense<0.000000e+00> : vector<1000x32xf32>
    %dot_general3A_47 = tpu.matmul %add3A, %get3A_45, %dot_general3A_46 {dimension_numbers = #tpu.dot_dimension_numbers<[1], [0], [0], [1], [0, 0, 1, 1], [], []>, transpose_lhs_hint = false} : vector<1000x32xf32>, vector<32x32xf32>, vector<1000x32xf32> -> vector<1000x32xf32>
    %get3A_48 = arith.constant 1 : index
    %get3A_49 = arith.constant 0 : index
    %get3A_50 = vector.load %arg4[%get3A_48, %get3A_49] : memref<6x32xf32, #tpu.memory_space<vmem>>, vector<1x32xf32>
    %add3A_51 = vector.broadcast %get3A_50 : vector<1x32xf32> to vector<1000x32xf32>
    %add3A_52 = arith.addf %dot_general3A_47, %add3A_51 : vector<1000x32xf32>
    %get3A_53 = arith.constant 4 : index
    %get3A_54 = arith.constant 0 : index
    %get3A_55 = arith.constant 0 : index
    %get3A_56 = vector.load %arg3[%get3A_53, %get3A_54, %get3A_55] : memref<6x32x32xf32, #tpu.memory_space<vmem>>, vector<1x32x32xf32>
    %get3A_57 = vector.shape_cast %get3A_56 : vector<1x32x32xf32> to vector<32x32xf32>
    %dot_general3A_58 = arith.constant dense<0.000000e+00> : vector<1000x32xf32>
    %dot_general3A_59 = tpu.matmul %get3A_1, %get3A_57, %dot_general3A_58 {dimension_numbers = #tpu.dot_dimension_numbers<[1], [0], [0], [1], [0, 0, 1, 1], [], []>, transpose_lhs_hint = false} : vector<1000x32xf32>, vector<32x32xf32>, vector<1000x32xf32> -> vector<1000x32xf32>
    %get3A_60 = arith.constant 4 : index
    %get3A_61 = arith.constant 0 : index
    %get3A_62 = vector.load %arg4[%get3A_60, %get3A_61] : memref<6x32xf32, #tpu.memory_space<vmem>>, vector<1x32xf32>
    %add3A_63 = vector.broadcast %get3A_62 : vector<1x32xf32> to vector<1000x32xf32>
    %add3A_64 = arith.addf %dot_general3A_59, %add3A_63 : vector<1000x32xf32>
    %add3A_65 = arith.addf %add3A_52, %add3A_64 : vector<1000x32xf32>
    %logistic3A_66 = arith.negf %add3A_65 : vector<1000x32xf32>
    %logistic3A_67 = math.exp %logistic3A_66 : vector<1000x32xf32>
    %logistic3A_68 = arith.constant 1.000000e+00 : f32
    %logistic3A_69 = vector.broadcast %logistic3A_68 : f32 to vector<1000x32xf32>
    %logistic3A_70 = arith.addf %logistic3A_69, %logistic3A_67 : vector<1000x32xf32>
    %logistic3A_71 = arith.divf %logistic3A_69, %logistic3A_70 : vector<1000x32xf32>
    %get3A_72 = arith.constant 2 : index
    %get3A_73 = arith.constant 0 : index
    %get3A_74 = arith.constant 0 : index
    %get3A_75 = vector.load %arg3[%get3A_72, %get3A_73, %get3A_74] : memref<6x32x32xf32, #tpu.memory_space<vmem>>, vector<1x32x32xf32>
    %get3A_76 = vector.shape_cast %get3A_75 : vector<1x32x32xf32> to vector<32x32xf32>
    %dot_general3A_77 = arith.constant dense<0.000000e+00> : vector<1000x32xf32>
    %dot_general3A_78 = tpu.matmul %add3A, %get3A_76, %dot_general3A_77 {dimension_numbers = #tpu.dot_dimension_numbers<[1], [0], [0], [1], [0, 0, 1, 1], [], []>, transpose_lhs_hint = false} : vector<1000x32xf32>, vector<32x32xf32>, vector<1000x32xf32> -> vector<1000x32xf32>
    %get3A_79 = arith.constant 2 : index
    %get3A_80 = arith.constant 0 : index
    %get3A_81 = vector.load %arg4[%get3A_79, %get3A_80] : memref<6x32xf32, #tpu.memory_space<vmem>>, vector<1x32xf32>
    %add3A_82 = vector.broadcast %get3A_81 : vector<1x32xf32> to vector<1000x32xf32>
    %add3A_83 = arith.addf %dot_general3A_78, %add3A_82 : vector<1000x32xf32>
    %get3A_84 = arith.constant 5 : index
    %get3A_85 = arith.constant 0 : index
    %get3A_86 = arith.constant 0 : index
    %get3A_87 = vector.load %arg3[%get3A_84, %get3A_85, %get3A_86] : memref<6x32x32xf32, #tpu.memory_space<vmem>>, vector<1x32x32xf32>
    %get3A_88 = vector.shape_cast %get3A_87 : vector<1x32x32xf32> to vector<32x32xf32>
    %dot_general3A_89 = arith.constant dense<0.000000e+00> : vector<1000x32xf32>
    %dot_general3A_90 = tpu.matmul %get3A_1, %get3A_88, %dot_general3A_89 {dimension_numbers = #tpu.dot_dimension_numbers<[1], [0], [0], [1], [0, 0, 1, 1], [], []>, transpose_lhs_hint = false} : vector<1000x32xf32>, vector<32x32xf32>, vector<1000x32xf32> -> vector<1000x32xf32>
    %get3A_91 = arith.constant 5 : index
    %get3A_92 = arith.constant 0 : index
    %get3A_93 = vector.load %arg4[%get3A_91, %get3A_92] : memref<6x32xf32, #tpu.memory_space<vmem>>, vector<1x32xf32>
    %add3A_94 = vector.broadcast %get3A_93 : vector<1x32xf32> to vector<1000x32xf32>
    %add3A_95 = arith.addf %dot_general3A_90, %add3A_94 : vector<1000x32xf32>
    %mul3A = arith.mulf %logistic3A_40, %add3A_95 : vector<1000x32xf32>
    %add3A_96 = arith.addf %add3A_83, %mul3A : vector<1000x32xf32>
    %tanh3A = math.tanh %add3A_96 : vector<1000x32xf32>
    %sub3A = arith.constant 1.000000e+00 : f32
    %sub3A_97 = vector.broadcast %sub3A : f32 to vector<1000x32xf32>
    %sub3A_98 = arith.subf %sub3A_97, %logistic3A_71 : vector<1000x32xf32>
    %mul3A_99 = arith.mulf %sub3A_98, %tanh3A : vector<1000x32xf32>
    %mul3A_100 = arith.mulf %logistic3A_71, %get3A_1 : vector<1000x32xf32>
    %add3A_101 = arith.addf %mul3A_99, %mul3A_100 : vector<1000x32xf32>
    %swap3A = arith.constant 0 : index
    %swap3A_102 = arith.constant 0 : index
    %swap3A_103 = vector.load %arg5[%swap3A, %swap3A_102] : memref<1000x32xf32, #tpu.memory_space<vmem>>, vector<1000x32xf32>
    tpu.vector_store %arg5[%swap3A, %swap3A_102], %add3A_101 {strides = array<i32>} : memref<1000x32xf32, #tpu.memory_space<vmem>>, vector<1000x32xf32>,
    return
  }
  func.func @transform_0(%arg0: i32) -> (i32, i32) {
    %c0_i32 = arith.constant 0 : i32
    %c0_i32_0 = arith.constant 0 : i32
    return %arg0, %c0_i32 : i32, i32
  }
  func.func @transform_1(%arg0: i32) -> (i32, i32, i32) {
    %c0_i32 = arith.constant 0 : i32
    %c0_i32_0 = arith.constant 0 : i32
    %c0_i32_1 = arith.constant 0 : i32
    return %c0_i32, %arg0, %c0_i32_0 : i32, i32, i32
  }
  func.func @transform_2(%arg0: i32) -> (i32, i32, i32) {
    %c0_i32 = arith.constant 0 : i32
    %c0_i32_0 = arith.constant 0 : i32
    %c0_i32_1 = arith.constant 0 : i32
    %c0_i32_2 = arith.constant 0 : i32
    return %c0_i32, %c0_i32_0, %c0_i32_1 : i32, i32, i32
  }
  func.func @transform_3(%arg0: i32) -> (i32, i32) {
    %c0_i32 = arith.constant 0 : i32
    %c0_i32_0 = arith.constant 0 : i32
    %c0_i32_1 = arith.constant 0 : i32
    return %c0_i32, %c0_i32_0 : i32, i32
  }
  func.func @transform_4(%arg0: i32) -> (i32, i32) {
    %c0_i32 = arith.constant 0 : i32
    %c0_i32_0 = arith.constant 0 : i32
    return %arg0, %c0_i32 : i32, i32
  }
}

</mosaic_0001>

<sc_bundles>
// kernel: kernel.10.cloned.1.call-start
scs
__scs_entry_jumppad:
0x0: {  	(pc) =	sbr.rel $0x88, $3  }
0x1: {  	(tag) =	ssettag $0x0;
	lr =	simm.s32 $0x1  }
0x2: {  	[smem:$0x3F90] =	sst lr;
	_ =	strace $0xD0000000  }
0x3: {  	_ = 	snop  }
0x4: {  	_ = 	snop  }
0x5: {  	_ = 	snop  }
0x6: {  	_ = 	snop  }
0x7: {  	_ = 	snop  }
__scs_overlays_trampoline_lowered:
0x8: {  	[smem:$0x3F9F] =	sst s0  }
0x9: {  	[smem:$0x3FA0] =	sst s1  }
0xa: {  	[smem:$0x3FA1] =	sst s2  }
0xb: {  	[smem:$0x3FA2] =	sst s3  }
0xc: {  	[smem:$0x3FA3] =	sst s4  }
0xd: {  	[smem:$0x3FA4] =	sst s5  }
0xe: {  	[smem:$0x3FA5] =	sst s6  }
0xf: {  	[smem:$0x3FA6] =	sst s7  }
0x10: {  	[smem:$0x3FA7] =	sst s8  }
0x11: {  	[smem:$0x3FA8] =	sst s9;
	s0 =	simm.s32 @!p0 $0x0  }
0x12: {  	s1 =	sld [smem:$0x3F8E];
	s0 =	simm.s32 @p0 $0x1  }
0x13: {  	[smem:$0x3FA9] =	sst s0;
	s0 =	simm.s32 @!p1 $0x0  }
0x14: {  	s2 =	sld [smem:$0x3F8D];
	s0 =	simm.s32 @p1 $0x1  }
0x15: {  	[smem:$0x3FAA] =	sst s0;
	s0 =	simm.s32 @!p2 $0x0  }
0x16: {  	s3 =	sld [smem:$0x3FDB];
	s0 =	simm.s32 @p2 $0x1  }
0x17: {  	s4 =	simm.s32 $0x1BF5;
	[smem:$0x3FAC] =	sst s0  }
0x18: {  	s0 =	sld [smem:$0x3F8F];
	_ =	swait.ge [sflag:s4], $0x0  }
0x19: {  	s7 =	sld [smem:$0x3F90]  }
0x1a: {  	s8 =	sadd.s32 $0xFFFFE003, lr  }
0x1b: {  	s9 =	sadd.s32 $0xFFFFFEF7, lr;
	s5 =	simm.s32 $0xFFFFFFFF;
	p2 =	slt.u32 s8, $0xFFFFF086  }
0x1c: {  	p1 =	slt.u32 s9, $0xF7A;
	s5 =	simm.s32 @!p2 $0x0  }
0x1d: {  	s5 =	simm.s32 @p1 $0x1;
	p0 =	seq.s32 s7, s2  }
0x1e: {  	s7 =	smul.u32 @!p0 $0xF7A, s2;
	p2 =	seq.s32 @!p0 s5, $0x0  }
0x1f: {  	s9 =	smul.u32 $0xF7A, s1;
	s8 =	simm.s32 @!p0 $0x1BF5;
	p2 =	por !p2, p0  }
0x20: {  	[sflag:s8] =	ssyncset.s32 @!p0 $0xFFFFF086;
	s6 =	sadd.s32 @!p0 s3, s7;
	s7 =	simm.s32 @!p0 $0x108  }
0x21: {  	s3 =	sadd.s32 s3, s9;
	s6 =	sadd.s32 @!p0 $0x88, s6;
	s7 =	simm.s32 @p2 $0x1082  }
0x22: {  	[simem:s7], [sflag:s8] =	dma.local @!p0 [hbm:s6], $0xF7A  }
0x23: {  	s9 =	sor.u32 $0xD0000000, s2;
	s6 =	simm.s32 $0x108;
	_ =	swait.ge @!p0 [sflag:s8], $0x0  }
0x24: {  	s3 =	sadd.s32 $0x88, s3;
	s6 =	simm.s32 @!p1 $0x1082;
	[sflag:s4] =	ssyncset.s32 $0xFFFFF086  }
0x25: {  	[simem:s6], [sflag:s4] =	dma.local [hbm:s3], $0xF7A  }
0x26: {  	[smem:$0x3F90] =	sst s1;
	(tag) =	ssettag s2;
	_ =	strace s9  }
0x27: {  	s1 =	sld [smem:$0x3FA0]  }
0x28: {  	s2 =	sld [smem:$0x3FA1]  }
0x29: {  	s4 =	sld [smem:$0x3FA3]  }
0x2a: {  	p0 =	seq.s32 s5, $0x0;
	s5 =	sld [smem:$0x3FA4]  }
0x2b: {  	s6 =	sld [smem:$0x3FA5]  }
0x2c: {  	s7 =	sld [smem:$0x3FA6]  }
0x2d: {  	s3 =	simm.s32 $0x108;
	s8 =	sld [smem:$0x3FA7]  }
0x2e: {  	s3 =	simm.s32 @!p0 $0x1082;
	s9 =	sld [smem:$0x3FA8]  }
0x2f: {  	lr =	sadd.s32 s0, s3;
	s0 =	sld [smem:$0x3F9F]  }
0x30: {  	s3 =	sld [smem:$0x3FA2]  }
0x31: {  	[smem:$0x3FAB] =	sst s10  }
0x32: {  	s10 =	sld [smem:$0x3FA9];
	_ =	sdelay $0x3  }
0x33: {  	p0 =	seq.s32 s10, $0x1;
	s10 =	sld [smem:$0x3FAB];
	_ =	sdelay $0x3  }
0x34: {  	[smem:$0x3FAB] =	sst s10  }
0x35: {  	s10 =	sld [smem:$0x3FAA];
	_ =	sdelay $0x3  }
0x36: {  	p1 =	seq.s32 s10, $0x1;
	s10 =	sld [smem:$0x3FAB];
	_ =	sdelay $0x3  }
0x37: {  	[smem:$0x3FAB] =	sst s10  }
0x38: {  	s10 =	sld [smem:$0x3FAC]  }
0x39: {  	_ = 	snop;
	(pc) =	sbr.ind lr, $3  }
0x3a: {  	_ = 	snop  }
0x3b: {  	_ = 	snop  }
0x3c: {  	p2 =	seq.s32 s10, $0x1;
	s10 =	sld [smem:$0x3FAB]  }
0x3d: {  	_ =	shalt  }
0x3e: {  	_ =	shalt  }
0x3f: {  	_ =	shalt  }
0x40: {  	_ =	shalt  }
0x41: {  	_ =	shalt  }
0x42: {  	_ =	shalt  }
0x43: {  	_ =	shalt  }
0x44: {  	_ =	shalt  }
0x45: {  	_ =	shalt  }
0x46: {  	_ =	shalt  }
0x47: {  	_ =	shalt  }
0x48: {  	_ =	shalt  }
0x49: {  	_ =	shalt  }
0x4a: {  	_ =	shalt  }
0x4b: {  	_ =	shalt  }
0x4c: {  	_ =	shalt  }
0x4d: {  	_ =	shalt  }
0x4e: {  	_ =	shalt  }
0x4f: {  	_ =	shalt  }
0x50: {  	_ =	shalt  }
0x51: {  	_ =	shalt  }
0x52: {  	_ =	shalt  }
0x53: {  	_ =	shalt  }
0x54: {  	_ =	shalt  }
0x55: {  	_ =	shalt  }
0x56: {  	_ =	shalt  }
0x57: {  	_ =	shalt  }
0x58: {  	_ =	shalt  }
0x59: {  	_ =	shalt  }
0x5a: {  	_ =	shalt  }
0x5b: {  	_ =	shalt  }
0x5c: {  	_ =	shalt  }
0x5d: {  	_ =	shalt  }
0x5e: {  	_ =	shalt  }
0x5f: {  	_ =	shalt  }
0x60: {  	_ =	shalt  }
0x61: {  	_ =	shalt  }
0x62: {  	_ =	shalt  }
0x63: {  	_ =	shalt  }
0x64: {  	_ =	shalt  }
0x65: {  	_ =	shalt  }
0x66: {  	_ =	shalt  }
0x67: {  	_ =	shalt  }
0x68: {  	_ =	shalt  }
0x69: {  	_ =	shalt  }
0x6a: {  	_ =	shalt  }
0x6b: {  	_ =	shalt  }
0x6c: {  	_ =	shalt  }
0x6d: {  	_ =	shalt  }
0x6e: {  	_ =	shalt  }
0x6f: {  	_ =	shalt  }
0x70: {  	_ =	shalt  }
0x71: {  	_ =	shalt  }
0x72: {  	_ =	shalt  }
0x73: {  	_ =	shalt  }
0x74: {  	_ =	shalt  }
0x75: {  	_ =	shalt  }
0x76: {  	_ =	shalt  }
0x77: {  	_ =	shalt  }
0x78: {  	_ =	shalt  }
0x79: {  	_ =	shalt  }
0x7a: {  	_ =	shalt  }
0x7b: {  	_ =	shalt  }
0x7c: {  	_ =	shalt  }
0x7d: {  	_ =	shalt  }
0x7e: {  	_ =	shalt  }
0x7f: {  	_ =	shalt  }
0x80: {  	_ =	shalt  }
0x81: {  	_ =	shalt  }
0x82: {  	_ =	shalt  }
0x83: {  	_ =	shalt  }
0x84: {  	_ =	shalt  }
0x85: {  	_ =	shalt  }
0x86: {  	_ =	shalt  }
0x87: {  	_ =	shalt  }
.Lfunc_end0:
.L_simem_size_0:
called_computation.1_lowered:
.L_overlay_start_0:
0x88: {  	s2 =	sld [smem:$0x3FD9]  }
0x89: {  	s3 =	sld [smem:$0x3FFE];
	_ =	sdelay $0x1  }
0x8a: {  	s1 =	srdreg.scid  }
0x8b: {  	s0 =	sand.u32 $0x1, s1  }
0x8c: {  	s17 =	sshll.u32 s0, $0xA;
	s2 =	sadd.s32 s3, s2  }
0x8d: {  	s2 =	sadd.s32 s2, s17  }
0x8e: {  	[smem:$0x3FB7] =	sst s2  }
0x8f: {  	_ = 	snop  }
0x90: {  	s2 =	sld [smem:$0x3FD0];
	(tm) =	ssettm $0x1  }
0x91: {  	s18 =	sld [smem:$0x3FFB];
	_ =	sdelay $0x3  }
0x92: {  	_ =	strace s18  }
0x93: {  	s3 =	sld [smem:$0x3FFC];
	_ =	sdelay $0x3  }
0x94: {  	_ =	strace s3  }
0x95: {  	s3 =	sld [smem:$0x3FFD];
	_ =	sdelay $0x3  }
0x96: {  	_ =	strace s3  }
0x97: {  	_ =	strace $0x8FFFFFFF  }
0x98: {  	s19 =	sld [smem:$0x3FDB];
	_ =	sdelay $0x1  }
0x99: {  	s4 =	simm.s32 $_scs_section_size  }
0x9a: {  	s5 =	simm.s32 $_size__tile_overlayer_lowered;
	s6 =	simm.s32 $_tile_overlayer_lowered  }
0x9b: {  	s22 =	simm.s32 $0x1BFF;
	s21 =	sshll.u32 s6, $0x1;
	s3 =	sadd.s32 s4, s19  }
0x9c: {  	s7 =	simm.s32 $0x0;
	s20 =	sshll.u32 s5, $0x1;
	s5 =	sadd.s32 s21, s3  }
0x9d: {  	[timem:s7], [sflag:s22] =	dma.local [hbm:s5], s20  }
0x9e: {  	_ =	swait.ge [sflag:s22], s20  }
0x9f: {  	s4 =	ssub.s32 $0x0, s20;
	[sflag:s22] =	ssyncset.done $0x0  }
0xa0: {  	[sflag:s22] =	ssyncadd.s32 s4;
	_ =	sdelay $0x1  }
0xa1: {  	s23 =	simm.s32 $0x1B8B  }
0xa2: {  	_ =	swait.ge [sflag:s23], $0x1  }
0xa3: {  	[sflag:s23] =	ssyncset.done $0x0  }
0xa4: {  	s25 =	simm.s32 $0x1B8E;
	s24 =	sld [smem:$0x3FFE];
	[sflag:s23] =	ssyncadd.s32 $0xFFFFFFFF  }
0xa5: {  	s26 =	simm.s32 $execute0_lowered;
	[smem:$0x3FD2] =	sst s25  }
0xa6: {  	s5 =	sshll.u32 s26, $0x1;
	_ =	strace $0x80000049;
	[dreg:$0x1] =	wrdreg $0xFFFFFFFF  }
0xa7: {  	s28 =	simm.s32 $_size_execute0_lowered;
	s3 =	sadd.s32 s3, s5;
	[dreg:$0x0] =	wrdreg $0x0  }
0xa8: {  	s5 =	sshll.u32 s28, $0x1;
	[dreg:$0x2] =	wrdreg s3  }
0xa9: {  	[dreg:$0x3] =	wrdreg s5  }
0xaa: {  	[dreg:$0x4] =	wrdreg $0xC0  }
0xab: {  	_ =	task [dreg:s7], $0x5FFFF  }
0xac: {  	[dreg:$0x1] =	wrdreg $0xFFFFFFFF  }
0xad: {  	[dreg:$0x0] =	wrdreg $0x60  }
0xae: {  	[dreg:$0x2] =	wrdreg s24  }
0xaf: {  	[dreg:$0x3] =	wrdreg s2  }
0xb0: {  	[dreg:$0x4] =	wrdreg $0x94000  }
0xb1: {  	[dreg:$0x5] =	wrdreg $0x9  }
0xb2: {  	_ =	task.clear_ibuf [dreg:s7], $0x6FFFF;
	_ =	strace $0x90000049  }
0xb3: {  	s29 =	simm.s32 $0x9;
	_ =	strace $0x8000004B  }
0xb4: {  	_ =	swait.ge [sflag:s29], $0x1  }
0xb5: {  	[sflag:s29] =	ssyncadd.s32 $0xFFFFFFFF  }
0xb6: {  	_ =	strace $0x9000004B  }
0xb7: {  	_ =	sfence  }
0xb8: {  	s30 =	sld [smem:$0x0];
	_ =	sdelay $0x2  }
0xb9: {  	s31 =	sshll.u32 s1, $0xD;
	s1 =	sshrl.u32 s1, $0x2  }
0xba: {  	s3 =	sand.u32 $0x4000, s31;
	s1 =	sadd.s32 s1, s30  }
0xbb: {  	s0 =	sor.u32 s3, s0;
	s1 =	sshll.u32 s1, $0x11  }
0xbc: {  	s0 =	sor.u32 s1, s0  }
0xbd: {  	s0 =	sadd.s32 $0x8F2B, s0  }
0xbe: {  	[sflag:s0] =	ssyncadd.remote.s32 $0x1  }
0xbf: {  	_ =	sfence.sel $0xFFFF  }
0xc0: {  	[dreg:$0x0] =	wrdreg $0xFFFFFFFF;
	(pc) =	sbr.abs _section_cstart, $3  }
0xc1: {  	[dreg:$0x1] =	wrdreg $0xFFFFFFFF  }
0xc2: {  	_ =	task.clear_ibuf [dreg:s7], $0x2FFFF;
	_ =	strace $0x9FFFFFFF  }
0xc3: {  	(tm) =	ssettm $0x7FFFFFFF  }
tec
execute0_lowered:
.L_overlay_start_1:
0x0: {  	(tag) =	ssettag $0x1  }
0x1: {  	s4 =	rddreg [dreg:$0x0]  }
0x2: {  	s5 =	rddreg [dreg:$0x1]  }
0x3: {  	s2 =	rddreg [dreg:$0x2]  }
0x4: {  	s3 =	srdreg.scid;
	s1 =	stileid.u32  }
0x5: {  	s0 =	rddreg [dreg:$0x3];
	s14 =	simm.s32 $0x2400;
	s15 =	simm.s32 $0x3400  }
0x6: {  	s16 =	simm.s32 $0x4400;
	s17 =	simm.s32 $0x5400;
	s18 =	simm.s32 $0x6400  }
0x7: {  	s19 =	simm.s32 $0x7400;
	s20 =	simm.s32 $0x8400;
	s7 =	smul.u32 $0x4E40, s1  }
0x8: {  	s21 =	simm.s32 $0x0;
	s6 =	sand.u32 $0x1, s3;
	s12 =	smul.u32 $0x5000, s1  }
0x9: {  	s3 =	simm.s32 $0x0;
	s31 =	sshll.u32 s1, $0x6;
	s9 =	smul.u32 $0x4E400, s6  }
0xa: {  	s8 =	sshll.u32 s6, $0x4;
	[smem:$0x7FF] =	sst s3;
	s10 =	smul.u32 $0x50000, s6  }
0xb: {  	s6 =	ssub.s32 $0x2, s6;
	s8 =	sor.u32 s1, s8;
	_ =	strace $0x8000004A  }
0xc: {  	s29 =	sshrl.u32 s6, $0x1;
	s30 =	sshrl.u32 s7, $0x3;
	s13 =	sadd.s32 s7, s2  }
0xd: {  	s8 =	smul.u32 $0x280, s8;
	s9 =	sadd.s32 s7, s9;
	s10 =	sadd.s32 s10, s4  }
0xe: {  	s11 =	ssub.s32 s6, s29;
	s9 =	sshrl.u32 s9, $0x3;
	s10 =	sadd.s32 s12, s10  }
0xf: {  	s12 =	simm.s32 $0x1400;
	s8 =	sadd.s32 s8, s4;
	s9 =	sadd.s32 s9, s4  }
0x10: {  	s4 =	sadd.s32 s5, s30;
	s5 =	sor.u32 $0x1C01, s31;
	s6 =	sadd.s32 $0x7EE00, s8  }
0x11: {  	s7 =	sadd.s32 $0x29E00, s9;
	s8 =	smax.u32 s11, $0x1;
	s9 =	sadd.s32 $0x83E00, s10  }
0x12: {  	s10 =	sshrl.u32 s13, $0x3;
	s11 =	simm.s32 $0x1;
	s13 =	simm.s32 $0x80  }
.LBB2_1:
0x13: {  	[spmem:s10], [sflag:s5] =	dma.local [hbm:s4], $0x9C8  }
0x14: {  	_ =	swait.ge [sflag:s11], $0x9C8  }
0x15: {  	[sflag:s11] =	ssyncset.done $0x0  }
0x16: {  	[sflag:s11] =	ssyncadd.s32 $0xFFFFF638  }
0x17: {  	[tilespmem:s3], [sflag:$0x1] =	stream.linear.gather [hbm4b:s6+s3], $0x1400, $0x38;
	[tilespmem:$0xE240] =	vst v63  }
0x18: {  	_ =	swait.ge [sflag:s11], $0x1400  }
0x19: {  	[sflag:s11] =	ssyncset.done $0x0  }
0x1a: {  	[sflag:s11] =	ssyncadd.s32 $0xFFFFEC00  }
0x1b: {  	s22 =	sadd.s32 $0x0, s9;
	[bflag:$0x0] =	sbarrier.arrive $0xFFFF  }
0x1c: {  	[tilespmem:s12], [sflag:$0x1] =	stream.linear.gather [hbm4b:s22+s3], $0x8000, $0x38;
	[tilespmem:$0xE240] =	vst v63  }
0x1d: {  	_ =	swait.ge [sflag:s11], $0x8000  }
0x1e: {  	[sflag:s11] =	ssyncset.done $0x0  }
0x1f: {  	s23 =	simm.s32 $0x0;
	[sflag:s11] =	ssyncadd.s32 $0xFFFF8000  }
0x20: {  	[spmem:s2] =	stream.indirect.scatter.add.f32 [tilespmem:s12], [sflag:$0x1], $0x20, s23, s13, $0xb8;
	[tilespmem:$0xE240] =	vst v63  }
0x21: {  	_ =	swait.ge [sflag:s11], $0x1000  }
0x22: {  	[sflag:s11] =	ssyncset.done $0x0  }
0x23: {  	s24 =	simm.s32 $0x80;
	[sflag:s11] =	ssyncadd.s32 $0xFFFFF000  }
0x24: {  	[spmem:s2] =	stream.indirect.scatter.add.f32 [tilespmem:s14], [sflag:$0x1], $0x20, s24, s13, $0xb8;
	[tilespmem:$0xE240] =	vst v63  }
0x25: {  	_ =	swait.ge [sflag:s11], $0x1000  }
0x26: {  	[sflag:s11] =	ssyncset.done $0x0  }
0x27: {  	s25 =	simm.s32 $0x100;
	[sflag:s11] =	ssyncadd.s32 $0xFFFFF000  }
0x28: {  	[spmem:s2] =	stream.indirect.scatter.add.f32 [tilespmem:s15], [sflag:$0x1], $0x20, s25, s13, $0xb8;
	[tilespmem:$0xE240] =	vst v63  }
0x29: {  	_ =	swait.ge [sflag:s11], $0x1000  }
0x2a: {  	[sflag:s11] =	ssyncset.done $0x0  }
0x2b: {  	s26 =	simm.s32 $0x180;
	[sflag:s11] =	ssyncadd.s32 $0xFFFFF000  }
0x2c: {  	[spmem:s2] =	stream.indirect.scatter.add.f32 [tilespmem:s16], [sflag:$0x1], $0x20, s26, s13, $0xb8;
	[tilespmem:$0xE240] =	vst v63  }
0x2d: {  	_ =	swait.ge [sflag:s11], $0x1000  }
0x2e: {  	[sflag:s11] =	ssyncset.done $0x0  }
0x2f: {  	s28 =	simm.s32 $0x200;
	[sflag:s11] =	ssyncadd.s32 $0xFFFFF000  }
0x30: {  	[spmem:s2] =	stream.indirect.scatter.add.f32 [tilespmem:s17], [sflag:$0x1], $0x20, s28, s13, $0xb8;
	[tilespmem:$0xE240] =	vst v63  }
0x31: {  	_ =	swait.ge [sflag:s11], $0x1000  }
0x32: {  	[sflag:s11] =	ssyncset.done $0x0  }
0x33: {  	s29 =	simm.s32 $0x280;
	[sflag:s11] =	ssyncadd.s32 $0xFFFFF000  }
0x34: {  	[spmem:s2] =	stream.indirect.scatter.add.f32 [tilespmem:s18], [sflag:$0x1], $0x20, s29, s13, $0xb8;
	[tilespmem:$0xE240] =	vst v63  }
0x35: {  	_ =	swait.ge [sflag:s11], $0x1000  }
0x36: {  	[sflag:s11] =	ssyncset.done $0x0  }
0x37: {  	s30 =	simm.s32 $0x300;
	[sflag:s11] =	ssyncadd.s32 $0xFFFFF000  }
0x38: {  	[spmem:s2] =	stream.indirect.scatter.add.f32 [tilespmem:s19], [sflag:$0x1], $0x20, s30, s13, $0xb8;
	[tilespmem:$0xE240] =	vst v63  }
0x39: {  	_ =	swait.ge [sflag:s11], $0x1000  }
0x3a: {  	[sflag:s11] =	ssyncset.done $0x0  }
0x3b: {  	s31 =	simm.s32 $0x380;
	[sflag:s11] =	ssyncadd.s32 $0xFFFFF000  }
0x3c: {  	[spmem:s2] =	stream.indirect.scatter.add.f32 [tilespmem:s20], [sflag:$0x1], $0x20, s31, s13, $0xb8;
	[tilespmem:$0xE240] =	vst v63  }
0x3d: {  	_ =	swait.ge [sflag:s11], $0x1000  }
0x3e: {  	s22 =	simm.s32 $0x1000;
	s24 =	simm.s32 $0x2000;
	[sflag:s11] =	ssyncset.done $0x0  }
.LBB2_2:
0x3f: {  	s25 =	sadd.s32 s22, s9  }
0x40: {  	[sflag:s11] =	ssyncadd.s32 $0xFFFFF000;
	s26 =	smov.u32 s24;
	s23 =	sadd.s32 $0x1000, s24  }
0x41: {  	[tilespmem:s12], [sflag:$0x1] =	stream.linear.gather [hbm4b:s25+s3], $0x8000, $0x38;
	[tilespmem:$0xE240] =	vst v63  }
0x42: {  	p0 =	sne.s32 s24, $0x4000;
	_ =	swait.ge [sflag:s11], $0x8000  }
0x43: {  	[sflag:s11] =	ssyncset.done $0x0  }
0x44: {  	s24 =	sshra.s32 s22, $0x2;
	s22 =	smov.u32 s26;
	[sflag:s11] =	ssyncadd.s32 $0xFFFF8000  }
0x45: {  	[spmem:s2] =	stream.indirect.scatter.add.f32 [tilespmem:s12], [sflag:$0x1], $0x20, s24, s13, $0xb8;
	[tilespmem:$0xE240] =	vst v63  }
0x46: {  	_ =	swait.ge [sflag:s11], $0x1000  }
0x47: {  	[sflag:s11] =	ssyncset.done $0x0  }
0x48: {  	s25 =	sadd.s32 $0x80, s24;
	[sflag:s11] =	ssyncadd.s32 $0xFFFFF000  }
0x49: {  	[spmem:s2] =	stream.indirect.scatter.add.f32 [tilespmem:s14], [sflag:$0x1], $0x20, s25, s13, $0xb8;
	[tilespmem:$0xE240] =	vst v63  }
0x4a: {  	_ =	swait.ge [sflag:s11], $0x1000  }
0x4b: {  	[sflag:s11] =	ssyncset.done $0x0  }
0x4c: {  	s25 =	sadd.s32 $0x100, s24;
	[sflag:s11] =	ssyncadd.s32 $0xFFFFF000  }
0x4d: {  	[spmem:s2] =	stream.indirect.scatter.add.f32 [tilespmem:s15], [sflag:$0x1], $0x20, s25, s13, $0xb8;
	[tilespmem:$0xE240] =	vst v63  }
0x4e: {  	_ =	swait.ge [sflag:s11], $0x1000  }
0x4f: {  	[sflag:s11] =	ssyncset.done $0x0  }
0x50: {  	s25 =	sadd.s32 $0x180, s24;
	[sflag:s11] =	ssyncadd.s32 $0xFFFFF000  }
0x51: {  	[spmem:s2] =	stream.indirect.scatter.add.f32 [tilespmem:s16], [sflag:$0x1], $0x20, s25, s13, $0xb8;
	[tilespmem:$0xE240] =	vst v63  }
0x52: {  	_ =	swait.ge [sflag:s11], $0x1000  }
0x53: {  	[sflag:s11] =	ssyncset.done $0x0  }
0x54: {  	s25 =	sadd.s32 $0x200, s24;
	[sflag:s11] =	ssyncadd.s32 $0xFFFFF000  }
0x55: {  	[spmem:s2] =	stream.indirect.scatter.add.f32 [tilespmem:s17], [sflag:$0x1], $0x20, s25, s13, $0xb8;
	[tilespmem:$0xE240] =	vst v63  }
0x56: {  	_ =	swait.ge [sflag:s11], $0x1000  }
0x57: {  	[sflag:s11] =	ssyncset.done $0x0  }
0x58: {  	s25 =	sadd.s32 $0x280, s24;
	[sflag:s11] =	ssyncadd.s32 $0xFFFFF000  }
0x59: {  	[spmem:s2] =	stream.indirect.scatter.add.f32 [tilespmem:s18], [sflag:$0x1], $0x20, s25, s13, $0xb8;
	[tilespmem:$0xE240] =	vst v63  }
0x5a: {  	_ =	swait.ge [sflag:s11], $0x1000  }
0x5b: {  	[sflag:s11] =	ssyncset.done $0x0  }
0x5c: {  	s25 =	sadd.s32 $0x300, s24;
	[sflag:s11] =	ssyncadd.s32 $0xFFFFF000  }
0x5d: {  	[spmem:s2] =	stream.indirect.scatter.add.f32 [tilespmem:s19], [sflag:$0x1], $0x20, s25, s13, $0xb8;
	[tilespmem:$0xE240] =	vst v63  }
0x5e: {  	_ =	swait.ge [sflag:s11], $0x1000  }
.Ltmp0:
0x5f: {  	[sflag:s11] =	ssyncset.done $0x0;
	(pc) =	sbr.rel @p0 .LBB2_2-.Ltmp0, $4  }
0x60: {  	s24 =	sadd.s32 $0x380, s24;
	[sflag:s11] =	ssyncadd.s32 $0xFFFFF000  }
0x61: {  	[spmem:s2] =	stream.indirect.scatter.add.f32 [tilespmem:s20], [sflag:$0x1], $0x20, s24, s13, $0xb8;
	[tilespmem:$0xE240] =	vst v63  }
0x62: {  	_ =	swait.ge [sflag:s11], $0x1000  }
0x63: {  	s24 =	smov.u32 s23;
	[sflag:s11] =	ssyncset.done $0x0  }
0x64: {  	s23 =	sadd.s32 s22, s9;
	[sflag:s11] =	ssyncadd.s32 $0xFFFFF000  }
0x65: {  	[tilespmem:s12], [sflag:$0x1] =	stream.linear.gather [hbm4b:s23+s3], $0x8000, $0x38;
	[tilespmem:$0xE240] =	vst v63  }
0x66: {  	_ =	swait.ge [sflag:s11], $0x8000  }
0x67: {  	[sflag:s11] =	ssyncset.done $0x0  }
0x68: {  	s24 =	sshra.s32 s22, $0x2;
	[sflag:s11] =	ssyncadd.s32 $0xFFFF8000  }
0x69: {  	[spmem:s2] =	stream.indirect.scatter.add.f32 [tilespmem:s12], [sflag:$0x1], $0x20, s24, s13, $0xb8;
	[tilespmem:$0xE240] =	vst v63  }
0x6a: {  	_ =	swait.ge [sflag:s11], $0x1000  }
0x6b: {  	[sflag:s11] =	ssyncset.done $0x0  }
0x6c: {  	s25 =	sadd.s32 $0x80, s24;
	[sflag:s11] =	ssyncadd.s32 $0xFFFFF000  }
0x6d: {  	[spmem:s2] =	stream.indirect.scatter.add.f32 [tilespmem:s14], [sflag:$0x1], $0x20, s25, s13, $0xb8;
	[tilespmem:$0xE240] =	vst v63  }
0x6e: {  	_ =	swait.ge [sflag:s11], $0x1000  }
0x6f: {  	[sflag:s11] =	ssyncset.done $0x0  }
0x70: {  	s26 =	sadd.s32 $0x100, s24;
	[sflag:s11] =	ssyncadd.s32 $0xFFFFF000  }
0x71: {  	[spmem:s2] =	stream.indirect.scatter.add.f32 [tilespmem:s15], [sflag:$0x1], $0x20, s26, s13, $0xb8;
	[tilespmem:$0xE240] =	vst v63  }
0x72: {  	_ =	swait.ge [sflag:s11], $0x1000  }
0x73: {  	[sflag:s11] =	ssyncset.done $0x0  }
0x74: {  	s28 =	sadd.s32 $0x180, s24;
	[sflag:s11] =	ssyncadd.s32 $0xFFFFF000  }
0x75: {  	[spmem:s2] =	stream.indirect.scatter.add.f32 [tilespmem:s16], [sflag:$0x1], $0x20, s28, s13, $0xb8;
	[tilespmem:$0xE240] =	vst v63  }
0x76: {  	_ =	swait.ge [sflag:s11], $0x1000  }
0x77: {  	[sflag:s11] =	ssyncset.done $0x0  }
0x78: {  	s29 =	sadd.s32 $0x200, s24;
	[sflag:s11] =	ssyncadd.s32 $0xFFFFF000  }
0x79: {  	[spmem:s2] =	stream.indirect.scatter.add.f32 [tilespmem:s17], [sflag:$0x1], $0x20, s29, s13, $0xb8;
	[tilespmem:$0xE240] =	vst v63  }
0x7a: {  	_ =	swait.ge [sflag:s11], $0x1000  }
0x7b: {  	[sflag:s11] =	ssyncset.done $0x0  }
0x7c: {  	s30 =	sadd.s32 $0x280, s24;
	[sflag:s11] =	ssyncadd.s32 $0xFFFFF000  }
0x7d: {  	[spmem:s2] =	stream.indirect.scatter.add.f32 [tilespmem:s18], [sflag:$0x1], $0x20, s30, s13, $0xb8;
	[tilespmem:$0xE240] =	vst v63  }
0x7e: {  	_ =	swait.ge [sflag:s11], $0x1000  }
0x7f: {  	[sflag:s11] =	ssyncset.done $0x0  }
0x80: {  	s31 =	sadd.s32 $0x300, s24;
	[sflag:s11] =	ssyncadd.s32 $0xFFFFF000  }
0x81: {  	[spmem:s2] =	stream.indirect.scatter.add.f32 [tilespmem:s19], [sflag:$0x1], $0x20, s31, s13, $0xb8;
	[tilespmem:$0xE240] =	vst v63  }
0x82: {  	_ =	swait.ge [sflag:s11], $0x1000  }
0x83: {  	[sflag:s11] =	ssyncset.done $0x0  }
0x84: {  	s22 =	sadd.s32 $0x380, s24;
	[sflag:s11] =	ssyncadd.s32 $0xFFFFF000  }
0x85: {  	[spmem:s2] =	stream.indirect.scatter.add.f32 [tilespmem:s20], [sflag:$0x1], $0x20, s22, s13, $0xb8;
	[tilespmem:$0xE240] =	vst v63  }
0x86: {  	_ =	swait.ge [sflag:s11], $0x1000  }
0x87: {  	s21 =	sadd.s32 $0x1, s21;
	[sflag:s11] =	ssyncset.done $0x0  }
0x88: {  	p0 =	sne.s32 s21, s8;
	[sflag:s11] =	ssyncadd.s32 $0xFFFFF000  }
.Ltmp1:
0x89: {  	[bflag:$0x0] =	sbarrier.arrive $0xFFFF;
	(pc) =	sbr.rel @p0 .LBB2_1-.Ltmp1, $4  }
0x8a: {  	[hbm:s7], [sflag:s5] =	dma.local [spmem:s10], $0x9C8  }
0x8b: {  	_ =	swait.ge [sflag:s11], $0x9C8  }
0x8c: {  	[sflag:s11] =	ssyncset.done $0x0  }
0x8d: {  	[sflag:s11] =	ssyncadd.s32 $0xFFFFF638  }
0x8e: {  	_ =	sfence.sel $0x180000  }
0x8f: {  	[bflag:$0x0] =	sbarrier.arrive $0xFFFF  }
0x90: {  	p0 =	sne.s32 s1, $0x0;
	_ =	strace $0x9000004A  }
0x91: {  	s0 =	sadd.s32 @!p0 $0x100000, s0;
	[bflag:$0x2] =	sbarrier.arrive $0xFFFF  }
0x92: {  	[sflag:s0] =	ssyncadd.tile.s32 @!p0 $0x1;
	_ =	shalt  }
.Lfunc_end2:
_tile_overlayer_lowered:
.L_overlay_start_2:
0x93: {  	(tag) =	ssettag $0x2  }
0x94: {  	s0 =	rddreg [dreg:$0x0];
	s2 =	stileid.u32  }
0x95: {  	s1 =	rddreg [dreg:$0x1];
	p0 =	sne.s32 s2, $0x0  }
0x96: {  	s3 =	rddreg [dreg:$0x2];
	[bflag:$0x3] =	sbarrier.arrive $0xFFFF;
	s2 =	simm.s32 @!p0 $0x1C01  }
0x97: {  	[timem:s3], [sflag:s2] =	dma.local @!p0 [hbm:s0], s1  }
0x98: {  	s0 =	simm.s32 @!p0 $0x1  }
0x99: {  	_ =	swait.ge @!p0 [sflag:s0], s1  }
0x9a: {  	s1 =	ssub.s32 @!p0 $0x0, s1;
	[sflag:s0] =	ssyncset.done @!p0 $0x0  }
0x9b: {  	[sflag:s0] =	ssyncadd.s32 @!p0 s1  }
0x9c: {  	[bflag:$0x3] =	sbarrier.arrive $0xFFFF  }
0x9d: {  	_ =	shalt  }

// kernel: kernel.7.cloned.1.call-start
scs
__scs_entry_jumppad:
0x0: {  	(pc) =	sbr.rel $0x88, $3  }
0x1: {  	(tag) =	ssettag $0x0;
	lr =	simm.s32 $0x1  }
0x2: {  	[smem:$0x3F90] =	sst lr;
	_ =	strace $0xD0000000  }
0x3: {  	_ = 	snop  }
0x4: {  	_ = 	snop  }
0x5: {  	_ = 	snop  }
0x6: {  	_ = 	snop  }
0x7: {  	_ = 	snop  }
__scs_overlays_trampoline_lowered:
0x8: {  	[smem:$0x3F9F] =	sst s0  }
0x9: {  	[smem:$0x3FA0] =	sst s1  }
0xa: {  	[smem:$0x3FA1] =	sst s2  }
0xb: {  	[smem:$0x3FA2] =	sst s3  }
0xc: {  	[smem:$0x3FA3] =	sst s4  }
0xd: {  	[smem:$0x3FA4] =	sst s5  }
0xe: {  	[smem:$0x3FA5] =	sst s6  }
0xf: {  	[smem:$0x3FA6] =	sst s7  }
0x10: {  	[smem:$0x3FA7] =	sst s8  }
0x11: {  	[smem:$0x3FA8] =	sst s9;
	s0 =	simm.s32 @!p0 $0x0  }
0x12: {  	s1 =	sld [smem:$0x3F8E];
	s0 =	simm.s32 @p0 $0x1  }
0x13: {  	[smem:$0x3FA9] =	sst s0;
	s0 =	simm.s32 @!p1 $0x0  }
0x14: {  	s2 =	sld [smem:$0x3F8D];
	s0 =	simm.s32 @p1 $0x1  }
0x15: {  	[smem:$0x3FAA] =	sst s0;
	s0 =	simm.s32 @!p2 $0x0  }
0x16: {  	s3 =	sld [smem:$0x3FDB];
	s0 =	simm.s32 @p2 $0x1  }
0x17: {  	s4 =	simm.s32 $0x1BF5;
	[smem:$0x3FAC] =	sst s0  }
0x18: {  	s0 =	sld [smem:$0x3F8F];
	_ =	swait.ge [sflag:s4], $0x0  }
0x19: {  	s7 =	sld [smem:$0x3F90]  }
0x1a: {  	s8 =	sadd.s32 $0xFFFFE003, lr  }
0x1b: {  	s9 =	sadd.s32 $0xFFFFFEF7, lr;
	s5 =	simm.s32 $0xFFFFFFFF;
	p2 =	slt.u32 s8, $0xFFFFF086  }
0x1c: {  	p1 =	slt.u32 s9, $0xF7A;
	s5 =	simm.s32 @!p2 $0x0  }
0x1d: {  	s5 =	simm.s32 @p1 $0x1;
	p0 =	seq.s32 s7, s2  }
0x1e: {  	s7 =	smul.u32 @!p0 $0xF7A, s2;
	p2 =	seq.s32 @!p0 s5, $0x0  }
0x1f: {  	s9 =	smul.u32 $0xF7A, s1;
	s8 =	simm.s32 @!p0 $0x1BF5;
	p2 =	por !p2, p0  }
0x20: {  	[sflag:s8] =	ssyncset.s32 @!p0 $0xFFFFF086;
	s6 =	sadd.s32 @!p0 s3, s7;
	s7 =	simm.s32 @!p0 $0x108  }
0x21: {  	s3 =	sadd.s32 s3, s9;
	s6 =	sadd.s32 @!p0 $0x88, s6;
	s7 =	simm.s32 @p2 $0x1082  }
0x22: {  	[simem:s7], [sflag:s8] =	dma.local @!p0 [hbm:s6], $0xF7A  }
0x23: {  	s9 =	sor.u32 $0xD0000000, s2;
	s6 =	simm.s32 $0x108;
	_ =	swait.ge @!p0 [sflag:s8], $0x0  }
0x24: {  	s3 =	sadd.s32 $0x88, s3;
	s6 =	simm.s32 @!p1 $0x1082;
	[sflag:s4] =	ssyncset.s32 $0xFFFFF086  }
0x25: {  	[simem:s6], [sflag:s4] =	dma.local [hbm:s3], $0xF7A  }
0x26: {  	[smem:$0x3F90] =	sst s1;
	(tag) =	ssettag s2;
	_ =	strace s9  }
0x27: {  	s1 =	sld [smem:$0x3FA0]  }
0x28: {  	s2 =	sld [smem:$0x3FA1]  }
0x29: {  	s4 =	sld [smem:$0x3FA3]  }
0x2a: {  	p0 =	seq.s32 s5, $0x0;
	s5 =	sld [smem:$0x3FA4]  }
0x2b: {  	s6 =	sld [smem:$0x3FA5]  }
0x2c: {  	s7 =	sld [smem:$0x3FA6]  }
0x2d: {  	s3 =	simm.s32 $0x108;
	s8 =	sld [smem:$0x3FA7]  }
0x2e: {  	s3 =	simm.s32 @!p0 $0x1082;
	s9 =	sld [smem:$0x3FA8]  }
0x2f: {  	lr =	sadd.s32 s0, s3;
	s0 =	sld [smem:$0x3F9F]  }
0x30: {  	s3 =	sld [smem:$0x3FA2]  }
0x31: {  	[smem:$0x3FAB] =	sst s10  }
0x32: {  	s10 =	sld [smem:$0x3FA9];
	_ =	sdelay $0x3  }
0x33: {  	p0 =	seq.s32 s10, $0x1;
	s10 =	sld [smem:$0x3FAB];
	_ =	sdelay $0x3  }
0x34: {  	[smem:$0x3FAB] =	sst s10  }
0x35: {  	s10 =	sld [smem:$0x3FAA];
	_ =	sdelay $0x3  }
0x36: {  	p1 =	seq.s32 s10, $0x1;
	s10 =	sld [smem:$0x3FAB];
	_ =	sdelay $0x3  }
0x37: {  	[smem:$0x3FAB] =	sst s10  }
0x38: {  	s10 =	sld [smem:$0x3FAC]  }
0x39: {  	_ = 	snop;
	(pc) =	sbr.ind lr, $3  }
0x3a: {  	_ = 	snop  }
0x3b: {  	_ = 	snop  }
0x3c: {  	p2 =	seq.s32 s10, $0x1;
	s10 =	sld [smem:$0x3FAB]  }
0x3d: {  	_ =	shalt  }
0x3e: {  	_ =	shalt  }
0x3f: {  	_ =	shalt  }
0x40: {  	_ =	shalt  }
0x41: {  	_ =	shalt  }
0x42: {  	_ =	shalt  }
0x43: {  	_ =	shalt  }
0x44: {  	_ =	shalt  }
0x45: {  	_ =	shalt  }
0x46: {  	_ =	shalt  }
0x47: {  	_ =	shalt  }
0x48: {  	_ =	shalt  }
0x49: {  	_ =	shalt  }
0x4a: {  	_ =	shalt  }
0x4b: {  	_ =	shalt  }
0x4c: {  	_ =	shalt  }
0x4d: {  	_ =	shalt  }
0x4e: {  	_ =	shalt  }
0x4f: {  	_ =	shalt  }
0x50: {  	_ =	shalt  }
0x51: {  	_ =	shalt  }
0x52: {  	_ =	shalt  }
0x53: {  	_ =	shalt  }
0x54: {  	_ =	shalt  }
0x55: {  	_ =	shalt  }
0x56: {  	_ =	shalt  }
0x57: {  	_ =	shalt  }
0x58: {  	_ =	shalt  }
0x59: {  	_ =	shalt  }
0x5a: {  	_ =	shalt  }
0x5b: {  	_ =	shalt  }
0x5c: {  	_ =	shalt  }
0x5d: {  	_ =	shalt  }
0x5e: {  	_ =	shalt  }
0x5f: {  	_ =	shalt  }
0x60: {  	_ =	shalt  }
0x61: {  	_ =	shalt  }
0x62: {  	_ =	shalt  }
0x63: {  	_ =	shalt  }
0x64: {  	_ =	shalt  }
0x65: {  	_ =	shalt  }
0x66: {  	_ =	shalt  }
0x67: {  	_ =	shalt  }
0x68: {  	_ =	shalt  }
0x69: {  	_ =	shalt  }
0x6a: {  	_ =	shalt  }
0x6b: {  	_ =	shalt  }
0x6c: {  	_ =	shalt  }
0x6d: {  	_ =	shalt  }
0x6e: {  	_ =	shalt  }
0x6f: {  	_ =	shalt  }
0x70: {  	_ =	shalt  }
0x71: {  	_ =	shalt  }
0x72: {  	_ =	shalt  }
0x73: {  	_ =	shalt  }
0x74: {  	_ =	shalt  }
0x75: {  	_ =	shalt  }
0x76: {  	_ =	shalt  }
0x77: {  	_ =	shalt  }
0x78: {  	_ =	shalt  }
0x79: {  	_ =	shalt  }
0x7a: {  	_ =	shalt  }
0x7b: {  	_ =	shalt  }
0x7c: {  	_ =	shalt  }
0x7d: {  	_ =	shalt  }
0x7e: {  	_ =	shalt  }
0x7f: {  	_ =	shalt  }
0x80: {  	_ =	shalt  }
0x81: {  	_ =	shalt  }
0x82: {  	_ =	shalt  }
0x83: {  	_ =	shalt  }
0x84: {  	_ =	shalt  }
0x85: {  	_ =	shalt  }
0x86: {  	_ =	shalt  }
0x87: {  	_ =	shalt  }
.Lfunc_end0:
.L_simem_size_0:
called_computation_lowered:
.L_overlay_start_0:
0x88: {  	s2 =	sld [smem:$0x3FD9]  }
0x89: {  	s3 =	sld [smem:$0x3FFE];
	_ =	sdelay $0x1  }
0x8a: {  	s1 =	srdreg.scid  }
0x8b: {  	s0 =	sand.u32 $0x1, s1  }
0x8c: {  	s17 =	sshll.u32 s0, $0xA;
	s2 =	sadd.s32 s3, s2  }
0x8d: {  	s2 =	sadd.s32 s2, s17  }
0x8e: {  	[smem:$0x3FB7] =	sst s2  }
0x8f: {  	_ = 	snop  }
0x90: {  	s2 =	sld [smem:$0x3FD0];
	(tm) =	ssettm $0x1  }
0x91: {  	s18 =	sld [smem:$0x3FFB];
	_ =	sdelay $0x3  }
0x92: {  	_ =	strace s18  }
0x93: {  	s3 =	sld [smem:$0x3FFC];
	_ =	sdelay $0x3  }
0x94: {  	_ =	strace s3  }
0x95: {  	s3 =	sld [smem:$0x3FFD];
	_ =	sdelay $0x3  }
0x96: {  	_ =	strace s3  }
0x97: {  	_ =	strace $0x8FFFFFFF  }
0x98: {  	s19 =	sld [smem:$0x3FDB];
	_ =	sdelay $0x1  }
0x99: {  	s4 =	simm.s32 $_scs_section_size  }
0x9a: {  	s5 =	simm.s32 $_size__tile_overlayer_lowered;
	s6 =	simm.s32 $_tile_overlayer_lowered  }
0x9b: {  	s22 =	simm.s32 $0x1BFF;
	s21 =	sshll.u32 s6, $0x1;
	s3 =	sadd.s32 s4, s19  }
0x9c: {  	s7 =	simm.s32 $0x0;
	s20 =	sshll.u32 s5, $0x1;
	s5 =	sadd.s32 s21, s3  }
0x9d: {  	[timem:s7], [sflag:s22] =	dma.local [hbm:s5], s20  }
0x9e: {  	_ =	swait.ge [sflag:s22], s20  }
0x9f: {  	s4 =	ssub.s32 $0x0, s20;
	[sflag:s22] =	ssyncset.done $0x0  }
0xa0: {  	[sflag:s22] =	ssyncadd.s32 s4;
	_ =	sdelay $0x1  }
0xa1: {  	s23 =	simm.s32 $0x1B8B  }
0xa2: {  	_ =	swait.ge [sflag:s23], $0x1  }
0xa3: {  	[sflag:s23] =	ssyncset.done $0x0  }
0xa4: {  	s25 =	simm.s32 $0x1B8E;
	s24 =	sld [smem:$0x3FFE];
	[sflag:s23] =	ssyncadd.s32 $0xFFFFFFFF  }
0xa5: {  	s26 =	simm.s32 $execute0_lowered;
	[smem:$0x3FD2] =	sst s25  }
0xa6: {  	s5 =	sshll.u32 s26, $0x1;
	_ =	strace $0x80000046;
	[dreg:$0x1] =	wrdreg $0xFFFFFFFF  }
0xa7: {  	s28 =	simm.s32 $_size_execute0_lowered;
	s3 =	sadd.s32 s3, s5;
	[dreg:$0x0] =	wrdreg $0x0  }
0xa8: {  	s5 =	sshll.u32 s28, $0x1;
	[dreg:$0x2] =	wrdreg s3  }
0xa9: {  	[dreg:$0x3] =	wrdreg s5  }
0xaa: {  	[dreg:$0x4] =	wrdreg $0xC0  }
0xab: {  	_ =	task [dreg:s7], $0x5FFFF  }
0xac: {  	[dreg:$0x1] =	wrdreg $0xFFFFFFFF  }
0xad: {  	[dreg:$0x0] =	wrdreg $0x60  }
0xae: {  	[dreg:$0x2] =	wrdreg s24  }
0xaf: {  	[dreg:$0x3] =	wrdreg s2  }
0xb0: {  	[dreg:$0x4] =	wrdreg $0x9  }
0xb1: {  	_ =	task.clear_ibuf [dreg:s7], $0x5FFFF;
	_ =	strace $0x90000046  }
0xb2: {  	s29 =	simm.s32 $0x9;
	_ =	strace $0x80000048  }
0xb3: {  	_ =	swait.ge [sflag:s29], $0x1  }
0xb4: {  	[sflag:s29] =	ssyncadd.s32 $0xFFFFFFFF  }
0xb5: {  	_ =	strace $0x90000048  }
0xb6: {  	_ =	sfence  }
0xb7: {  	s30 =	sld [smem:$0x0];
	_ =	sdelay $0x2  }
0xb8: {  	s31 =	sshll.u32 s1, $0xD;
	s1 =	sshrl.u32 s1, $0x2  }
0xb9: {  	s3 =	sand.u32 $0x4000, s31;
	s1 =	sadd.s32 s1, s30  }
0xba: {  	s0 =	sor.u32 s3, s0;
	s1 =	sshll.u32 s1, $0x11  }
0xbb: {  	s0 =	sor.u32 s1, s0  }
0xbc: {  	s0 =	sadd.s32 $0x8F2B, s0  }
0xbd: {  	[sflag:s0] =	ssyncadd.remote.s32 $0x1  }
0xbe: {  	_ =	sfence.sel $0xFFFF  }
0xbf: {  	[dreg:$0x0] =	wrdreg $0xFFFFFFFF;
	(pc) =	sbr.abs _section_cstart, $3  }
0xc0: {  	[dreg:$0x1] =	wrdreg $0xFFFFFFFF  }
0xc1: {  	_ =	task.clear_ibuf [dreg:s7], $0x2FFFF;
	_ =	strace $0x9FFFFFFF  }
0xc2: {  	(tm) =	ssettm $0x7FFFFFFF  }
0xc3: {  	_ =	shalt  }
tec
execute0_lowered:
.L_overlay_start_1:
0x0: {  	(tag) =	ssettag $0x1  }
0x1: {  	s4 =	rddreg [dreg:$0x0]  }
0x2: {  	s5 =	rddreg [dreg:$0x1]  }
0x3: {  	s1 =	srdreg.scid;
	s0 =	rddreg [dreg:$0x2]  }
0x4: {  	s2 =	simm.s32 $0x0;
	s10 =	simm.s32 $0x1C00;
	s11 =	simm.s32 $0x2400  }
0x5: {  	s12 =	simm.s32 $0x2C00;
	s13 =	simm.s32 $0x3400;
	s14 =	simm.s32 $0x3C00  }
0x6: {  	s15 =	simm.s32 $0x4400;
	s16 =	simm.s32 $0x4C00;
	s17 =	simm.s32 $0x1  }
0x7: {  	s18 =	simm.s32 $0x2;
	s19 =	simm.s32 $0x3;
	s20 =	simm.s32 $0x4  }
0x8: {  	s21 =	simm.s32 $0x5;
	s22 =	simm.s32 $0x6;
	s23 =	simm.s32 $0x7  }
0x9: {  	s24 =	simm.s32 $0x8;
	s3 =	sand.u32 $0x1, s1;
	s1 =	stileid.u32  }
0xa: {  	s25 =	simm.s32 $0x0;
	[smem:$0x7FF] =	sst s2;
	s6 =	smul.u32 $0x280000, s3  }
0xb: {  	s7 =	smul.u32 $0x28000, s1;
	s8 =	sshll.u32 s3, $0x4;
	_ =	strace $0x80000047  }
0xc: {  	s31 =	ssub.s32 $0x2, s3;
	s3 =	sadd.s32 $0x29E00, s4;
	s8 =	sor.u32 s1, s8  }
0xd: {  	s9 =	sshrl.u32 s31, $0x1;
	s6 =	sadd.s32 s7, s6;
	s8 =	smul.u32 $0x280, s8  }
0xe: {  	s7 =	ssub.s32 s31, s9;
	s9 =	simm.s32 $0x1400;
	s6 =	sshrl.u32 s6, $0x4  }
0xf: {  	s6 =	sadd.s32 s6, s4;
	s4 =	sadd.s32 s5, s8;
	s5 =	smax.u32 s7, $0x1  }
0x10: {  	s7 =	simm.s32 $0x9;
	s8 =	simm.s32 $0x80;
	s6 =	sadd.s32 $0x2EE00, s6  }
.LBB2_1:
0x11: {  	[tilespmem:s2], [sflag:$0x9] =	stream.linear.gather [hbm4b:s4+s2], $0x1400, $0x38;
	[tilespmem:$0x5400] =	vst v63  }
0x12: {  	_ =	swait.ge [sflag:s7], $0x1400  }
0x13: {  	[sflag:s7] =	ssyncset.done $0x0  }
0x14: {  	s26 =	simm.s32 $0x0;
	[sflag:s7] =	ssyncadd.s32 $0xFFFFEC00  }
0x15: {  	[tilespmem:s9], [sflag:$0x1] =	stream.indirect.gather [hbm4b:s3+s8], $0x10, s26, s8, $0xb8;
	[tilespmem:$0x5400] =	vst v63  }
0x16: {  	s31 =	simm.s32 $0x80  }
0x17: {  	[tilespmem:s10], [sflag:$0x2] =	stream.indirect.gather [hbm4b:s3+s8], $0x10, s31, s8, $0xb8;
	[tilespmem:$0x5400] =	vst v63  }
0x18: {  	s29 =	simm.s32 $0x100  }
0x19: {  	[tilespmem:s11], [sflag:$0x3] =	stream.indirect.gather [hbm4b:s3+s8], $0x10, s29, s8, $0xb8;
	[tilespmem:$0x5400] =	vst v63  }
0x1a: {  	s31 =	simm.s32 $0x180  }
0x1b: {  	[tilespmem:s12], [sflag:$0x4] =	stream.indirect.gather [hbm4b:s3+s8], $0x10, s31, s8, $0xb8;
	[tilespmem:$0x5400] =	vst v63  }
0x1c: {  	s29 =	simm.s32 $0x200  }
0x1d: {  	[tilespmem:s13], [sflag:$0x5] =	stream.indirect.gather [hbm4b:s3+s8], $0x10, s29, s8, $0xb8;
	[tilespmem:$0x5400] =	vst v63  }
0x1e: {  	s31 =	simm.s32 $0x280  }
0x1f: {  	[tilespmem:s14], [sflag:$0x6] =	stream.indirect.gather [hbm4b:s3+s8], $0x10, s31, s8, $0xb8;
	[tilespmem:$0x5400] =	vst v63  }
0x20: {  	s29 =	simm.s32 $0x300  }
0x21: {  	[tilespmem:s15], [sflag:$0x7] =	stream.indirect.gather [hbm4b:s3+s8], $0x10, s29, s8, $0xb8;
	[tilespmem:$0x5400] =	vst v63  }
0x22: {  	s31 =	simm.s32 $0x380  }
0x23: {  	[tilespmem:s16], [sflag:$0x8] =	stream.indirect.gather [hbm4b:s3+s8], $0x10, s31, s8, $0xb8;
	[tilespmem:$0x5400] =	vst v63  }
0x24: {  	_ =	swait.ge [sflag:s17], $0x800  }
0x25: {  	[sflag:s17] =	ssyncset.done $0x0  }
0x26: {  	[sflag:s17] =	ssyncadd.s32 $0xFFFFF800  }
0x27: {  	_ =	swait.ge [sflag:s18], $0x800  }
0x28: {  	[sflag:s18] =	ssyncset.done $0x0  }
0x29: {  	[sflag:s18] =	ssyncadd.s32 $0xFFFFF800  }
0x2a: {  	_ =	swait.ge [sflag:s19], $0x800  }
0x2b: {  	[sflag:s19] =	ssyncset.done $0x0  }
0x2c: {  	[sflag:s19] =	ssyncadd.s32 $0xFFFFF800  }
0x2d: {  	_ =	swait.ge [sflag:s20], $0x800  }
0x2e: {  	[sflag:s20] =	ssyncset.done $0x0  }
0x2f: {  	[sflag:s20] =	ssyncadd.s32 $0xFFFFF800  }
0x30: {  	_ =	swait.ge [sflag:s21], $0x800  }
0x31: {  	[sflag:s21] =	ssyncset.done $0x0  }
0x32: {  	[sflag:s21] =	ssyncadd.s32 $0xFFFFF800  }
0x33: {  	_ =	swait.ge [sflag:s22], $0x800  }
0x34: {  	[sflag:s22] =	ssyncset.done $0x0  }
0x35: {  	[sflag:s22] =	ssyncadd.s32 $0xFFFFF800  }
0x36: {  	_ =	swait.ge [sflag:s23], $0x800  }
0x37: {  	[sflag:s23] =	ssyncset.done $0x0  }
0x38: {  	[sflag:s23] =	ssyncadd.s32 $0xFFFFF800  }
0x39: {  	_ =	swait.ge [sflag:s24], $0x800  }
0x3a: {  	[sflag:s24] =	ssyncset.done $0x0  }
0x3b: {  	[sflag:s24] =	ssyncadd.s32 $0xFFFFF800  }
0x3c: {  	[hbm4b:s6+s2] =	stream.linear.scatter [tilespmem:s9], [sflag:$0x9], $0x4000, $0x38;
	[tilespmem:$0x5400] =	vst v63  }
0x3d: {  	s28 =	simm.s32 $0x1000;
	_ =	swait.ge [sflag:s7], $0x4000  }
0x3e: {  	s30 =	simm.s32 $0x2000;
	s26 =	sadd.s32 $0x800, s6;
	[sflag:s7] =	ssyncset.done $0x0  }
.LBB2_2:
0x3f: {  	s31 =	sshra.s32 s28, $0x2  }
0x40: {  	[sflag:s7] =	ssyncadd.s32 $0xFFFFC000;
	s28 =	smov.u32 s30;
	s29 =	sadd.s32 $0x1000, s30  }
0x41: {  	[tilespmem:s9], [sflag:$0x1] =	stream.indirect.gather [hbm4b:s3+s8], $0x10, s31, s8, $0xb8;
	[tilespmem:$0x5400] =	vst v63  }
0x42: {  	p0 =	sne.s32 s30, $0x4000;
	s30 =	sadd.s32 $0x80, s31  }
0x43: {  	[tilespmem:s10], [sflag:$0x2] =	stream.indirect.gather [hbm4b:s3+s8], $0x10, s30, s8, $0xb8;
	[tilespmem:$0x5400] =	vst v63  }
0x44: {  	s30 =	sadd.s32 $0x100, s31  }
0x45: {  	[tilespmem:s11], [sflag:$0x3] =	stream.indirect.gather [hbm4b:s3+s8], $0x10, s30, s8, $0xb8;
	[tilespmem:$0x5400] =	vst v63  }
0x46: {  	s30 =	sadd.s32 $0x180, s31  }
0x47: {  	[tilespmem:s12], [sflag:$0x4] =	stream.indirect.gather [hbm4b:s3+s8], $0x10, s30, s8, $0xb8;
	[tilespmem:$0x5400] =	vst v63  }
0x48: {  	s30 =	sadd.s32 $0x200, s31  }
0x49: {  	[tilespmem:s13], [sflag:$0x5] =	stream.indirect.gather [hbm4b:s3+s8], $0x10, s30, s8, $0xb8;
	[tilespmem:$0x5400] =	vst v63  }
0x4a: {  	s30 =	sadd.s32 $0x280, s31  }
0x4b: {  	[tilespmem:s14], [sflag:$0x6] =	stream.indirect.gather [hbm4b:s3+s8], $0x10, s30, s8, $0xb8;
	[tilespmem:$0x5400] =	vst v63  }
0x4c: {  	s30 =	sadd.s32 $0x300, s31  }
0x4d: {  	[tilespmem:s15], [sflag:$0x7] =	stream.indirect.gather [hbm4b:s3+s8], $0x10, s30, s8, $0xb8;
	[tilespmem:$0x5400] =	vst v63  }
0x4e: {  	s30 =	sadd.s32 $0x380, s31  }
0x4f: {  	[tilespmem:s16], [sflag:$0x8] =	stream.indirect.gather [hbm4b:s3+s8], $0x10, s30, s8, $0xb8;
	[tilespmem:$0x5400] =	vst v63  }
0x50: {  	_ =	swait.ge [sflag:s17], $0x800  }
0x51: {  	[sflag:s17] =	ssyncset.done $0x0  }
0x52: {  	[sflag:s17] =	ssyncadd.s32 $0xFFFFF800  }
0x53: {  	_ =	swait.ge [sflag:s18], $0x800  }
0x54: {  	[sflag:s18] =	ssyncset.done $0x0  }
0x55: {  	[sflag:s18] =	ssyncadd.s32 $0xFFFFF800  }
0x56: {  	_ =	swait.ge [sflag:s19], $0x800  }
0x57: {  	[sflag:s19] =	ssyncset.done $0x0  }
0x58: {  	[sflag:s19] =	ssyncadd.s32 $0xFFFFF800  }
0x59: {  	_ =	swait.ge [sflag:s20], $0x800  }
0x5a: {  	[sflag:s20] =	ssyncset.done $0x0  }
0x5b: {  	[sflag:s20] =	ssyncadd.s32 $0xFFFFF800  }
0x5c: {  	_ =	swait.ge [sflag:s21], $0x800  }
0x5d: {  	[sflag:s21] =	ssyncset.done $0x0  }
0x5e: {  	[sflag:s21] =	ssyncadd.s32 $0xFFFFF800  }
0x5f: {  	_ =	swait.ge [sflag:s22], $0x800  }
0x60: {  	[sflag:s22] =	ssyncset.done $0x0  }
0x61: {  	[sflag:s22] =	ssyncadd.s32 $0xFFFFF800  }
0x62: {  	_ =	swait.ge [sflag:s23], $0x800  }
0x63: {  	[sflag:s23] =	ssyncset.done $0x0  }
0x64: {  	[sflag:s23] =	ssyncadd.s32 $0xFFFFF800  }
0x65: {  	_ =	swait.ge [sflag:s24], $0x800  }
.Ltmp0:
0x66: {  	[sflag:s24] =	ssyncset.done $0x0;
	(pc) =	sbr.rel @p0 .LBB2_2-.Ltmp0, $4  }
0x67: {  	[sflag:s24] =	ssyncadd.s32 $0xFFFFF800  }
0x68: {  	[hbm4b:s26+s2] =	stream.linear.scatter [tilespmem:s9], [sflag:$0x9], $0x4000, $0x38;
	[tilespmem:$0x5400] =	vst v63  }
0x69: {  	_ =	swait.ge [sflag:s7], $0x4000  }
0x6a: {  	s30 =	smov.u32 s29;
	s26 =	sadd.s32 $0x800, s26;
	[sflag:s7] =	ssyncset.done $0x0  }
0x6b: {  	s28 =	sshra.s32 s28, $0x2;
	[sflag:s7] =	ssyncadd.s32 $0xFFFFC000  }
0x6c: {  	[tilespmem:s9], [sflag:$0x1] =	stream.indirect.gather [hbm4b:s3+s8], $0x10, s28, s8, $0xb8;
	[tilespmem:$0x5400] =	vst v63  }
0x6d: {  	s29 =	sadd.s32 $0x80, s28  }
0x6e: {  	[tilespmem:s10], [sflag:$0x2] =	stream.indirect.gather [hbm4b:s3+s8], $0x10, s29, s8, $0xb8;
	[tilespmem:$0x5400] =	vst v63  }
0x6f: {  	s31 =	sadd.s32 $0x100, s28  }
0x70: {  	[tilespmem:s11], [sflag:$0x3] =	stream.indirect.gather [hbm4b:s3+s8], $0x10, s31, s8, $0xb8;
	[tilespmem:$0x5400] =	vst v63  }
0x71: {  	s30 =	sadd.s32 $0x180, s28  }
0x72: {  	[tilespmem:s12], [sflag:$0x4] =	stream.indirect.gather [hbm4b:s3+s8], $0x10, s30, s8, $0xb8;
	[tilespmem:$0x5400] =	vst v63  }
0x73: {  	s31 =	sadd.s32 $0x200, s28  }
0x74: {  	[tilespmem:s13], [sflag:$0x5] =	stream.indirect.gather [hbm4b:s3+s8], $0x10, s31, s8, $0xb8;
	[tilespmem:$0x5400] =	vst v63  }
0x75: {  	s30 =	sadd.s32 $0x280, s28  }
0x76: {  	[tilespmem:s14], [sflag:$0x6] =	stream.indirect.gather [hbm4b:s3+s8], $0x10, s30, s8, $0xb8;
	[tilespmem:$0x5400] =	vst v63  }
0x77: {  	s31 =	sadd.s32 $0x300, s28  }
0x78: {  	[tilespmem:s15], [sflag:$0x7] =	stream.indirect.gather [hbm4b:s3+s8], $0x10, s31, s8, $0xb8;
	[tilespmem:$0x5400] =	vst v63  }
0x79: {  	s28 =	sadd.s32 $0x380, s28  }
0x7a: {  	[tilespmem:s16], [sflag:$0x8] =	stream.indirect.gather [hbm4b:s3+s8], $0x10, s28, s8, $0xb8;
	[tilespmem:$0x5400] =	vst v63  }
0x7b: {  	_ =	swait.ge [sflag:s17], $0x800  }
0x7c: {  	[sflag:s17] =	ssyncset.done $0x0  }
0x7d: {  	[sflag:s17] =	ssyncadd.s32 $0xFFFFF800  }
0x7e: {  	_ =	swait.ge [sflag:s18], $0x800  }
0x7f: {  	[sflag:s18] =	ssyncset.done $0x0  }
0x80: {  	[sflag:s18] =	ssyncadd.s32 $0xFFFFF800  }
0x81: {  	_ =	swait.ge [sflag:s19], $0x800  }
0x82: {  	[sflag:s19] =	ssyncset.done $0x0  }
0x83: {  	[sflag:s19] =	ssyncadd.s32 $0xFFFFF800  }
0x84: {  	_ =	swait.ge [sflag:s20], $0x800  }
0x85: {  	[sflag:s20] =	ssyncset.done $0x0  }
0x86: {  	[sflag:s20] =	ssyncadd.s32 $0xFFFFF800  }
0x87: {  	_ =	swait.ge [sflag:s21], $0x800  }
0x88: {  	[sflag:s21] =	ssyncset.done $0x0  }
0x89: {  	[sflag:s21] =	ssyncadd.s32 $0xFFFFF800  }
0x8a: {  	_ =	swait.ge [sflag:s22], $0x800  }
0x8b: {  	[sflag:s22] =	ssyncset.done $0x0  }
0x8c: {  	[sflag:s22] =	ssyncadd.s32 $0xFFFFF800  }
0x8d: {  	_ =	swait.ge [sflag:s23], $0x800  }
0x8e: {  	[sflag:s23] =	ssyncset.done $0x0  }
0x8f: {  	[sflag:s23] =	ssyncadd.s32 $0xFFFFF800  }
0x90: {  	s25 =	sadd.s32 $0x1, s25;
	_ =	swait.ge [sflag:s24], $0x800  }
0x91: {  	p0 =	sne.s32 s25, s5;
	[sflag:s24] =	ssyncset.done $0x0  }
.Ltmp1:
0x92: {  	[sflag:s24] =	ssyncadd.s32 $0xFFFFF800;
	(pc) =	sbr.rel @p0 .LBB2_1-.Ltmp1, $4  }
0x93: {  	[hbm4b:s26+s2] =	stream.linear.scatter [tilespmem:s9], [sflag:$0x9], $0x4000, $0x38;
	[tilespmem:$0x5400] =	vst v63  }
0x94: {  	_ =	swait.ge [sflag:s7], $0x4000  }
0x95: {  	[sflag:s7] =	ssyncset.done $0x0  }
0x96: {  	[sflag:s7] =	ssyncadd.s32 $0xFFFFC000  }
0x97: {  	_ =	sfence.sel $0x180000  }
0x98: {  	[bflag:$0x0] =	sbarrier.arrive $0xFFFF  }
0x99: {  	p0 =	sne.s32 s1, $0x0;
	_ =	strace $0x90000047  }
0x9a: {  	s0 =	sadd.s32 @!p0 $0x100000, s0;
	[bflag:$0x2] =	sbarrier.arrive $0xFFFF  }
0x9b: {  	[sflag:s0] =	ssyncadd.tile.s32 @!p0 $0x1;
	_ =	shalt  }
.Lfunc_end2:
_tile_overlayer_lowered:
.L_overlay_start_2:
0x9c: {  	(tag) =	ssettag $0x2  }
0x9d: {  	s0 =	rddreg [dreg:$0x0];
	s2 =	stileid.u32  }
0x9e: {  	s1 =	rddreg [dreg:$0x1];
	p0 =	sne.s32 s2, $0x0  }
0x9f: {  	s3 =	rddreg [dreg:$0x2];
	[bflag:$0x3] =	sbarrier.arrive $0xFFFF;
	s2 =	simm.s32 @!p0 $0x1C09  }
0xa0: {  	[timem:s3], [sflag:s2] =	dma.local @!p0 [hbm:s0], s1  }
0xa1: {  	s0 =	simm.s32 @!p0 $0x9  }
0xa2: {  	_ =	swait.ge @!p0 [sflag:s0], s1  }
0xa3: {  	s1 =	ssub.s32 @!p0 $0x0, s1;
	[sflag:s0] =	ssyncset.done @!p0 $0x0  }
0xa4: {  	[sflag:s0] =	ssyncadd.s32 @!p0 s1  }
0xa5: {  	[bflag:$0x3] =	sbarrier.arrive $0xFFFF  }
0xa6: {  	_ =	shalt  }

</sc_bundles>
